<compile_context>
chip_gen: v7x
topology: tpu7x:2x2x1
jax: 0.10.2.dev20260603
libtpu: 0.0.44.dev20260713+nightly
codegen_flags: <defaults>
</compile_context>

<pallas_src>
import functools

import jax
import jax.numpy as jnp
from jax import lax
from jax.experimental import pallas as pl
from jax.experimental.pallas import tpu as pltpu
from jax.experimental.pallas import tpu_sc as plsc

N_ROWS = 2048
N_COLS = 8192
TOPK = 2458
L = 16
NW = 32
R_TC = 1408
R_SC = N_ROWS - R_TC
ROWS_PER_W = R_SC // NW
NV = N_COLS // L
UNROLL = 8
TC_BLOCK = 128

SKEY_NEG_INF = -2139095041
SKEY_POS_INF = 2139095040
BKEY_NEG_INF = 127
BKEY_POS_INF = 65408
NV16 = N_COLS // 128


def _skey_to_f32vec(k):
    kv = jnp.full((L,), k, dtype=jnp.int32)
    u = kv ^ (lax.shift_right_arithmetic(kv, 31) & jnp.int32(0x7FFFFFFF))
    return lax.bitcast_convert_type(u, jnp.float32)


def _lane_sum_i32(vec, scratch_ref):
    del scratch_ref
    total = vec[0]
    for i in range(1, L):
        total = total + vec[i]
    return total


def _sc_body(s_hbm, out_hbm, xbuf, obuf, cntbuf):
    cid = lax.axis_index("c")
    sid = lax.axis_index("s")
    wid = sid * 2 + cid
    row0 = wid * ROWS_PER_W

    def row_step(r, total_vec):
        pltpu.sync_copy(s_hbm.at[row0 + r], xbuf)

        def bis_step(_, state):
            lo, hi, tk, done = state
            mid = (lax.shift_right_arithmetic(lo, 1)
                   + lax.shift_right_arithmetic(hi, 1)
                   + (lo & hi & jnp.int32(1)))
            tvec = _skey_to_f32vec(mid)

            def cnt_step(i, acc):
                base = i * (UNROLL * L)
                for uu in range(UNROLL):
                    x = xbuf[pl.ds(base + uu * L, L)]
                    acc = acc + jnp.where(x >= tvec, jnp.int32(1), jnp.int32(0))
                return acc

            n_act = jnp.where(done, jnp.int32(0), jnp.int32(NV // UNROLL))
            cnt_vec = lax.fori_loop(0, n_act, cnt_step,
                                    jnp.zeros((L,), jnp.int32))
            cnt = _lane_sum_i32(cnt_vec, cntbuf)
            hit = jnp.logical_and(jnp.logical_not(done), cnt == TOPK)
            ge = cnt >= TOPK
            lo2 = jnp.where(jnp.logical_or(done, jnp.logical_not(ge)), lo, mid)
            hi2 = jnp.where(jnp.logical_or(done, ge), hi, mid)
            done2 = jnp.logical_or(done,
                                   jnp.logical_or(hit, hi2 - lo2 <= 1))
            tk2 = jnp.where(done, tk, jnp.where(hit, mid, lo2))
            return (lo2, hi2, tk2, done2)

        _, _, tk, _ = lax.fori_loop(
            0, 33, bis_step,
            (jnp.int32(SKEY_NEG_INF), jnp.int32(SKEY_POS_INF),
             jnp.int32(SKEY_NEG_INF), jnp.bool_(False)))
        tvec = _skey_to_f32vec(tk)

        def sum_step(i, carry):
            sacc, cacc = carry
            base = i * (UNROLL * L)
            for uu in range(UNROLL):
                x = xbuf[pl.ds(base + uu * L, L)]
                m = x > tvec
                sacc = sacc + jnp.where(m, x, jnp.float32(0))
                cacc = cacc + jnp.where(m, jnp.int32(1), jnp.int32(0))
            return (sacc, cacc)

        sacc, cacc = lax.fori_loop(0, NV // UNROLL, sum_step,
                                   (jnp.zeros((L,), jnp.float32),
                                    jnp.zeros((L,), jnp.int32)))
        cgt = _lane_sum_i32(cacc, cntbuf)
        corr_lane = (jnp.float32(TOPK) - cgt.astype(jnp.float32)) * jnp.float32(1.0 / L)
        return total_vec + sacc + jnp.full((L,), corr_lane, jnp.float32) * tvec

    total_vec = lax.fori_loop(0, ROWS_PER_W, row_step, jnp.zeros((L,), jnp.float32))
    obuf[...] = total_vec
    pltpu.sync_copy(obuf, out_hbm.at[wid])


_sc_topk = functools.partial(
    pl.kernel,
    out_type=jax.ShapeDtypeStruct((NW, L), jnp.float32),
    mesh=plsc.VectorSubcoreMesh(core_axis_name="c", subcore_axis_name="s"),
    scratch_types=[
        pltpu.VMEM((N_COLS,), jnp.float32),
        pltpu.VMEM((L,), jnp.float32),
        pltpu.VMEM((L,), jnp.int32),
    ],
)(_sc_body)


def _tc_inv_skey(kv):
    u = kv ^ (lax.shift_right_arithmetic(kv, 31) & jnp.int32(0x7FFFFFFF))
    return lax.bitcast_convert_type(u, jnp.float32)


def _tc_body(x_ref, o_ref):
    x = x_ref[...]

    lo32 = jnp.full((TC_BLOCK, 1), SKEY_NEG_INF, jnp.int32)
    hi32 = jnp.full((TC_BLOCK, 1), SKEY_POS_INF, jnp.int32)

    def bis_cond(state):
        _, _, _, done = state
        return jnp.min(done) == 0

    def bis(state):
        lo, hi, tk, done = state
        pend = done == 0
        mid = (lax.shift_right_arithmetic(lo, 1)
               + lax.shift_right_arithmetic(hi, 1)
               + (lo & hi & jnp.int32(1)))
        t = _tc_inv_skey(mid)
        cnt = jnp.sum((x >= t).astype(jnp.float32), axis=1, keepdims=True)
        hit = jnp.logical_and(pend, cnt == jnp.float32(TOPK))
        upd = jnp.logical_and(pend, cnt >= jnp.float32(TOPK))
        lo2 = jnp.where(upd, mid, lo)
        hi2 = jnp.where(jnp.logical_and(pend, jnp.logical_not(upd)), mid, hi)
        fin = jnp.logical_or(hit, hi2 - lo2 <= 1)
        done2 = jnp.where(jnp.logical_and(pend, fin), jnp.int32(1), done)
        tk2 = jnp.where(pend, jnp.where(hit, mid, lo2), tk)
        return (lo2, hi2, tk2, done2)

    _, _, tk, _ = lax.while_loop(
        bis_cond, bis,
        (lo32, hi32, lo32, jnp.zeros((TC_BLOCK, 1), jnp.int32)))
    t = _tc_inv_skey(tk)
    m = x > t
    ssum = jnp.sum(jnp.where(m, x, jnp.float32(0)), axis=1, keepdims=True)
    cgt = jnp.sum(m.astype(jnp.float32), axis=1, keepdims=True)
    o_ref[...] = ssum + (jnp.float32(TOPK) - cgt) * t


_tc_topk = pl.pallas_call(
    _tc_body,
    grid=(R_TC // TC_BLOCK,),
    in_specs=[pl.BlockSpec((TC_BLOCK, N_COLS),
                           lambda i: (R_SC // TC_BLOCK + i, 0))],
    out_specs=pl.BlockSpec((TC_BLOCK, 1), lambda i: (i, 0)),
    out_shape=jax.ShapeDtypeStruct((R_TC, 1), jnp.float32),
)


def _reduce_body(p_ref, q_ref, o_ref):
    total = ((jnp.sum(p_ref[...]) + jnp.sum(q_ref[...]))
             * jnp.float32(1.0 / (N_ROWS * TOPK)))
    o_ref[...] = jnp.full((1, 1), total, jnp.float32)


def kernel(s):
    partials = _sc_topk(s)
    tc_sums = _tc_topk(s)
    out = pl.pallas_call(
        _reduce_body,
        out_shape=jax.ShapeDtypeStruct((1, 1), jnp.float32),
    )(partials, tc_sums)
    return out[0, 0]

# --- scband reference (transcript-rebuilt; emitter-appended) ---
"""Pipeline reference for scband-top-kchamfer-similarity-41936060678715 (READ-ONLY COPY).

The authoritative reference and input builder live on the scoring server;
editing this copy changes nothing except your own understanding.
"""

import jax, jax.numpy as jnp
import numpy as np

TOP_RATE = 0.3
MAX_AXIS = 1
MEAN_AXIS = 0


def setup_inputs(seed: int = 0) -> dict:
    key = jax.random.key(seed)
    s = jax.random.normal(key, (2048, 8192), dtype=jnp.float32)
    return {"s": s}


def reference(s):
    # mask is None path of TopKChamferSimilarity.forward (symmetric=False)
    topk = max(int(round(s.shape[MAX_AXIS] * TOP_RATE)), 1)
    # torch.topk along axis=1 == jax.lax.top_k on last axis for 2D input
    vals, _ = jax.lax.top_k(s, topk)
    out = jnp.mean(vals, axis=MAX_AXIS, keepdims=True)
    out = jnp.mean(out, axis=MEAN_AXIS, keepdims=True)
    # squeeze(max_axis).squeeze(min_axis) -> scalar
    out = jnp.squeeze(out, axis=max(MAX_AXIS, MEAN_AXIS))
    out = jnp.squeeze(out, axis=min(MAX_AXIS, MEAN_AXIS))
    return out

if __name__ == "__main__":
    import jax
    _d = setup_inputs()
    print(jax.jit(kernel)(*tuple(_d.values())))

</pallas_src>

<mosaic_0001>
#map = affine_map<(d0, d1) -> (0, 0)>
module attributes {stable_mosaic.version = 14 : i64} {
  func.func @_sc_body(%arg0: i32, %arg1: i32, %arg2: memref<2048x8192xf32, #tpu.memory_space<hbm>>, %arg3: memref<32x16xf32, #tpu.memory_space<hbm>>, %arg4: memref<8192xf32, #tpu.memory_space<vmem>>, %arg5: memref<16xf32, #tpu.memory_space<vmem>>, %arg6: memref<16xi32, #tpu.memory_space<vmem>>) attributes {dimension_semantics = [#tpu.dimension_semantics<core_parallel>, #tpu.dimension_semantics<subcore_parallel>], iteration_bounds = array<i64: 2, 16>, scalar_prefetch = 0 : i64, scratch_operands = 3 : i64, tpu.core_type = #tpu.core_type<sc_vector_subcore>, window_params = [{transform_indices = #map}, {transform_indices = #map}]} {
    %mul3A = arith.constant 2 : i32
    %mul3A_0 = arith.muli %arg1, %mul3A : i32
    %add3A = arith.addi %mul3A_0, %arg0 : i32
    %mul3A_1 = arith.constant 20 : i32
    %mul3A_2 = arith.muli %add3A, %mul3A_1 : i32
    %broadcast_in_dim3A = arith.constant 0.000000e+00 : f32
    %broadcast_in_dim3A_3 = vector.broadcast %broadcast_in_dim3A : f32 to vector<16xf32>
    %scan3A = arith.constant 0 : i32
    %scan3A_4 = arith.constant 20 : i32
    %scan3A_5 = arith.addi %scan3A, %scan3A_4 : i32
    %scan3A_6 = arith.constant 1 : i32
    %scan3A_7 = scf.for %scan3A_12 = %scan3A to %scan3A_5 step %scan3A_6 iter_args(%scan3A_13 = %broadcast_in_dim3A_3) -> (vector<16xf32>)  : i32 {
      %add3A_14 = arith.addi %mul3A_2, %scan3A_12 : i32
      "tpu.region"() ({
        %run_scoped3A = tpu.sem_alloc : memref<!tpu.dma_semaphore, #tpu.memory_space<semaphore_mem>>
        %dma_start3A = arith.constant 0 : i32
        %dma_start3A_92 = tpu.memref_slice %arg2[%add3A_14, %dma_start3A] : memref<2048x8192xf32, #tpu.memory_space<hbm>> -> memref<1x8192xf32, #tpu.memory_space<hbm>>
        %dma_start3A_93 = tpu.memref_squeeze %dma_start3A_92 : memref<1x8192xf32, #tpu.memory_space<hbm>> -> memref<8192xf32, #tpu.memory_space<hbm>>
        %dma_start3A_94 = arith.constant 0 : i32
        %dma_start3A_95 = tpu.memref_slice %arg2[%add3A_14, %dma_start3A_94] : memref<2048x8192xf32, #tpu.memory_space<hbm>> -> memref<1x8192xf32, #tpu.memory_space<hbm>>
        %dma_start3A_96 = tpu.memref_squeeze %dma_start3A_95 : memref<1x8192xf32, #tpu.memory_space<hbm>> -> memref<8192xf32, #tpu.memory_space<hbm>>
        tpu.enqueue_dma source(%dma_start3A_96 : memref<8192xf32, #tpu.memory_space<hbm>>) target(%arg4 : memref<8192xf32, #tpu.memory_space<vmem>>) target_semaphore(%run_scoped3A : memref<!tpu.dma_semaphore, #tpu.memory_space<semaphore_mem>>)
        %dma_wait3A = arith.constant 0 : i32
        %dma_wait3A_97 = tpu.memref_slice %arg2[%add3A_14, %dma_wait3A] : memref<2048x8192xf32, #tpu.memory_space<hbm>> -> memref<1x8192xf32, #tpu.memory_space<hbm>>
        %dma_wait3A_98 = tpu.memref_squeeze %dma_wait3A_97 : memref<1x8192xf32, #tpu.memory_space<hbm>> -> memref<8192xf32, #tpu.memory_space<hbm>>
        %dma_wait3A_99 = arith.constant 0 : i32
        %dma_wait3A_100 = tpu.memref_slice %arg2[%add3A_14, %dma_wait3A_99] : memref<2048x8192xf32, #tpu.memory_space<hbm>> -> memref<1x8192xf32, #tpu.memory_space<hbm>>
        %dma_wait3A_101 = tpu.memref_squeeze %dma_wait3A_100 : memref<1x8192xf32, #tpu.memory_space<hbm>> -> memref<8192xf32, #tpu.memory_space<hbm>>
        tpu.wait_dma2 semaphore(%run_scoped3A : memref<!tpu.dma_semaphore, #tpu.memory_space<semaphore_mem>>) src(%dma_wait3A_101 : memref<8192xf32, #tpu.memory_space<hbm>>) dst(%arg4 : memref<8192xf32, #tpu.memory_space<vmem>>)
        tpu.yield
      }) : () -> ()
      %scan3A_15 = arith.constant -2139095041 : i32
      %scan3A_16 = arith.constant 2139095040 : i32
      %scan3A_17 = arith.constant -2139095041 : i32
      %scan3A_18 = arith.constant false
      %scan3A_19 = arith.constant 0 : i32
      %scan3A_20 = arith.constant 33 : i32
      %scan3A_21 = arith.addi %scan3A_19, %scan3A_20 : i32
      %scan3A_22 = arith.constant 1 : i32
      %scan3A_23:4 = scf.for %scan3A_92 = %scan3A_19 to %scan3A_21 step %scan3A_22 iter_args(%scan3A_93 = %scan3A_15, %scan3A_94 = %scan3A_16, %scan3A_95 = %scan3A_17, %scan3A_96 = %scan3A_18) -> (i32, i32, i32, i1)  : i32 {
        %shift_right_arithmetic3A_97 = arith.constant 1 : i32
        %shift_right_arithmetic3A_98 = arith.shrsi %scan3A_93, %shift_right_arithmetic3A_97 : i32
        %shift_right_arithmetic3A_99 = arith.constant 1 : i32
        %shift_right_arithmetic3A_100 = arith.shrsi %scan3A_94, %shift_right_arithmetic3A_99 : i32
        %add3A_101 = arith.addi %shift_right_arithmetic3A_98, %shift_right_arithmetic3A_100 : i32
        %and3A_102 = arith.andi %scan3A_93, %scan3A_94 : i32
        %and3A_103 = arith.constant 1 : i32
        %and3A_104 = arith.andi %and3A_102, %and3A_103 : i32
        %add3A_105 = arith.addi %add3A_101, %and3A_104 : i32
        %broadcast_in_dim3A_106 = vector.broadcast %add3A_105 : i32 to vector<16xi32>
        %shift_right_arithmetic3A_107 = arith.constant 31 : i32
        %shift_right_arithmetic3A_108 = vector.broadcast %shift_right_arithmetic3A_107 : i32 to vector<16xi32>
        %shift_right_arithmetic3A_109 = arith.shrsi %broadcast_in_dim3A_106, %shift_right_arithmetic3A_108 : vector<16xi32>
        %and3A_110 = arith.constant 2147483647 : i32
        %and3A_111 = vector.broadcast %and3A_110 : i32 to vector<16xi32>
        %and3A_112 = arith.andi %shift_right_arithmetic3A_109, %and3A_111 : vector<16xi32>
        %xor3A_113 = arith.xori %broadcast_in_dim3A_106, %and3A_112 : vector<16xi32>
        %bitcast_convert_type3A_114 = tpu.bitcast %xor3A_113 : vector<16xi32> -> vector<16xf32>
        %jit3A = arith.constant 0 : i32
        %jit3A_115 = arith.constant 64 : i32
        %select_n3A = arith.select %scan3A_96, %jit3A, %jit3A_115 : i32
        %broadcast_in_dim3A_116 = arith.constant 0 : i32
        %broadcast_in_dim3A_117 = vector.broadcast %broadcast_in_dim3A_116 : i32 to vector<16xi32>
        %while3A = arith.constant 0 : i32
        %while3A_118 = arith.subi %select_n3A, %while3A : i32
        %while3A_119 = arith.addi %while3A, %while3A_118 : i32
        %while3A_120 = arith.constant 1 : i32
        %while3A_121 = arith.divsi %while3A_118, %while3A_120 : i32
        %while3A_122 = arith.muli %while3A_121, %while3A_120 : i32
        %while3A_123 = arith.addi %while3A, %while3A_122 : i32
        %while3A_124 = arith.constant 1 : i32
        %while3A_125 = scf.for %while3A_190 = %while3A to %while3A_123 step %while3A_124 iter_args(%while3A_191 = %broadcast_in_dim3A_117) -> (vector<16xi32>)  : i32 {
          %mul3A_192 = arith.constant 128 : i32
          %mul3A_193 = arith.muli %while3A_190, %mul3A_192 : i32
          %add3A_194 = arith.constant 0 : i32
          %add3A_195 = arith.addi %mul3A_193, %add3A_194 : i32
          %get3A = arith.index_cast %add3A_195 : i32 to index
          %get3A_196 = tpu.vector_load %arg4[%get3A] {strides = array<i32>} : memref<8192xf32, #tpu.memory_space<vmem>>, vector<16xf32>,
          %get3A_197 = vector.shape_cast %get3A_196 : vector<16xf32> to vector<16xf32>
          %ge3A_198 = arith.cmpf oge, %get3A_197, %bitcast_convert_type3A_114 : vector<16xf32>
          %jit3A_199 = arith.constant 1 : i32
          %jit3A_200 = arith.constant 0 : i32
          %broadcast_in_dim3A_201 = vector.broadcast %jit3A_199 : i32 to vector<16xi32>
          %broadcast_in_dim3A_202 = vector.broadcast %jit3A_200 : i32 to vector<16xi32>
          %select_n3A_203 = arith.select %ge3A_198, %broadcast_in_dim3A_201, %broadcast_in_dim3A_202 : vector<16xi1>, vector<16xi32>
          %add3A_204 = arith.addi %while3A_191, %select_n3A_203 : vector<16xi32>
          %add3A_205 = arith.constant 16 : i32
          %add3A_206 = arith.addi %mul3A_193, %add3A_205 : i32
          %get3A_207 = arith.index_cast %add3A_206 : i32 to index
          %get3A_208 = tpu.vector_load %arg4[%get3A_207] {strides = array<i32>} : memref<8192xf32, #tpu.memory_space<vmem>>, vector<16xf32>,
          %get3A_209 = vector.shape_cast %get3A_208 : vector<16xf32> to vector<16xf32>
          %ge3A_210 = arith.cmpf oge, %get3A_209, %bitcast_convert_type3A_114 : vector<16xf32>
          %jit3A_211 = arith.constant 1 : i32
          %jit3A_212 = arith.constant 0 : i32
          %broadcast_in_dim3A_213 = vector.broadcast %jit3A_211 : i32 to vector<16xi32>
          %broadcast_in_dim3A_214 = vector.broadcast %jit3A_212 : i32 to vector<16xi32>
          %select_n3A_215 = arith.select %ge3A_210, %broadcast_in_dim3A_213, %broadcast_in_dim3A_214 : vector<16xi1>, vector<16xi32>
          %add3A_216 = arith.addi %add3A_204, %select_n3A_215 : vector<16xi32>
          %add3A_217 = arith.constant 32 : i32
          %add3A_218 = arith.addi %mul3A_193, %add3A_217 : i32
          %get3A_219 = arith.index_cast %add3A_218 : i32 to index
          %get3A_220 = tpu.vector_load %arg4[%get3A_219] {strides = array<i32>} : memref<8192xf32, #tpu.memory_space<vmem>>, vector<16xf32>,
          %get3A_221 = vector.shape_cast %get3A_220 : vector<16xf32> to vector<16xf32>
          %ge3A_222 = arith.cmpf oge, %get3A_221, %bitcast_convert_type3A_114 : vector<16xf32>
          %jit3A_223 = arith.constant 1 : i32
          %jit3A_224 = arith.constant 0 : i32
          %broadcast_in_dim3A_225 = vector.broadcast %jit3A_223 : i32 to vector<16xi32>
          %broadcast_in_dim3A_226 = vector.broadcast %jit3A_224 : i32 to vector<16xi32>
          %select_n3A_227 = arith.select %ge3A_222, %broadcast_in_dim3A_225, %broadcast_in_dim3A_226 : vector<16xi1>, vector<16xi32>
          %add3A_228 = arith.addi %add3A_216, %select_n3A_227 : vector<16xi32>
          %add3A_229 = arith.constant 48 : i32
          %add3A_230 = arith.addi %mul3A_193, %add3A_229 : i32
          %get3A_231 = arith.index_cast %add3A_230 : i32 to index
          %get3A_232 = tpu.vector_load %arg4[%get3A_231] {strides = array<i32>} : memref<8192xf32, #tpu.memory_space<vmem>>, vector<16xf32>,
          %get3A_233 = vector.shape_cast %get3A_232 : vector<16xf32> to vector<16xf32>
          %ge3A_234 = arith.cmpf oge, %get3A_233, %bitcast_convert_type3A_114 : vector<16xf32>
          %jit3A_235 = arith.constant 1 : i32
          %jit3A_236 = arith.constant 0 : i32
          %broadcast_in_dim3A_237 = vector.broadcast %jit3A_235 : i32 to vector<16xi32>
          %broadcast_in_dim3A_238 = vector.broadcast %jit3A_236 : i32 to vector<16xi32>
          %select_n3A_239 = arith.select %ge3A_234, %broadcast_in_dim3A_237, %broadcast_in_dim3A_238 : vector<16xi1>, vector<16xi32>
          %add3A_240 = arith.addi %add3A_228, %select_n3A_239 : vector<16xi32>
          %add3A_241 = arith.constant 64 : i32
          %add3A_242 = arith.addi %mul3A_193, %add3A_241 : i32
          %get3A_243 = arith.index_cast %add3A_242 : i32 to index
          %get3A_244 = tpu.vector_load %arg4[%get3A_243] {strides = array<i32>} : memref<8192xf32, #tpu.memory_space<vmem>>, vector<16xf32>,
          %get3A_245 = vector.shape_cast %get3A_244 : vector<16xf32> to vector<16xf32>
          %ge3A_246 = arith.cmpf oge, %get3A_245, %bitcast_convert_type3A_114 : vector<16xf32>
          %jit3A_247 = arith.constant 1 : i32
          %jit3A_248 = arith.constant 0 : i32
          %broadcast_in_dim3A_249 = vector.broadcast %jit3A_247 : i32 to vector<16xi32>
          %broadcast_in_dim3A_250 = vector.broadcast %jit3A_248 : i32 to vector<16xi32>
          %select_n3A_251 = arith.select %ge3A_246, %broadcast_in_dim3A_249, %broadcast_in_dim3A_250 : vector<16xi1>, vector<16xi32>
          %add3A_252 = arith.addi %add3A_240, %select_n3A_251 : vector<16xi32>
          %add3A_253 = arith.constant 80 : i32
          %add3A_254 = arith.addi %mul3A_193, %add3A_253 : i32
          %get3A_255 = arith.index_cast %add3A_254 : i32 to index
          %get3A_256 = tpu.vector_load %arg4[%get3A_255] {strides = array<i32>} : memref<8192xf32, #tpu.memory_space<vmem>>, vector<16xf32>,
          %get3A_257 = vector.shape_cast %get3A_256 : vector<16xf32> to vector<16xf32>
          %ge3A_258 = arith.cmpf oge, %get3A_257, %bitcast_convert_type3A_114 : vector<16xf32>
          %jit3A_259 = arith.constant 1 : i32
          %jit3A_260 = arith.constant 0 : i32
          %broadcast_in_dim3A_261 = vector.broadcast %jit3A_259 : i32 to vector<16xi32>
          %broadcast_in_dim3A_262 = vector.broadcast %jit3A_260 : i32 to vector<16xi32>
          %select_n3A_263 = arith.select %ge3A_258, %broadcast_in_dim3A_261, %broadcast_in_dim3A_262 : vector<16xi1>, vector<16xi32>
          %add3A_264 = arith.addi %add3A_252, %select_n3A_263 : vector<16xi32>
          %add3A_265 = arith.constant 96 : i32
          %add3A_266 = arith.addi %mul3A_193, %add3A_265 : i32
          %get3A_267 = arith.index_cast %add3A_266 : i32 to index
          %get3A_268 = tpu.vector_load %arg4[%get3A_267] {strides = array<i32>} : memref<8192xf32, #tpu.memory_space<vmem>>, vector<16xf32>,
          %get3A_269 = vector.shape_cast %get3A_268 : vector<16xf32> to vector<16xf32>
          %ge3A_270 = arith.cmpf oge, %get3A_269, %bitcast_convert_type3A_114 : vector<16xf32>
          %jit3A_271 = arith.constant 1 : i32
          %jit3A_272 = arith.constant 0 : i32
          %broadcast_in_dim3A_273 = vector.broadcast %jit3A_271 : i32 to vector<16xi32>
          %broadcast_in_dim3A_274 = vector.broadcast %jit3A_272 : i32 to vector<16xi32>
          %select_n3A_275 = arith.select %ge3A_270, %broadcast_in_dim3A_273, %broadcast_in_dim3A_274 : vector<16xi1>, vector<16xi32>
          %add3A_276 = arith.addi %add3A_264, %select_n3A_275 : vector<16xi32>
          %add3A_277 = arith.constant 112 : i32
          %add3A_278 = arith.addi %mul3A_193, %add3A_277 : i32
          %get3A_279 = arith.index_cast %add3A_278 : i32 to index
          %get3A_280 = tpu.vector_load %arg4[%get3A_279] {strides = array<i32>} : memref<8192xf32, #tpu.memory_space<vmem>>, vector<16xf32>,
          %get3A_281 = vector.shape_cast %get3A_280 : vector<16xf32> to vector<16xf32>
          %ge3A_282 = arith.cmpf oge, %get3A_281, %bitcast_convert_type3A_114 : vector<16xf32>
          %jit3A_283 = arith.constant 1 : i32
          %jit3A_284 = arith.constant 0 : i32
          %broadcast_in_dim3A_285 = vector.broadcast %jit3A_283 : i32 to vector<16xi32>
          %broadcast_in_dim3A_286 = vector.broadcast %jit3A_284 : i32 to vector<16xi32>
          %select_n3A_287 = arith.select %ge3A_282, %broadcast_in_dim3A_285, %broadcast_in_dim3A_286 : vector<16xi1>, vector<16xi32>
          %add3A_288 = arith.addi %add3A_276, %select_n3A_287 : vector<16xi32>
          scf.yield %add3A_288 : vector<16xi32>
        }
        %while3A_126 = arith.constant 1 : i32
        %while3A_127 = scf.for %while3A_190 = %while3A_123 to %while3A_119 step %while3A_126 iter_args(%while3A_191 = %while3A_125) -> (vector<16xi32>)  : i32 {
          %mul3A_192 = arith.constant 128 : i32
          %mul3A_193 = arith.muli %while3A_190, %mul3A_192 : i32
          %add3A_194 = arith.constant 0 : i32
          %add3A_195 = arith.addi %mul3A_193, %add3A_194 : i32
          %get3A = arith.index_cast %add3A_195 : i32 to index
          %get3A_196 = tpu.vector_load %arg4[%get3A] {strides = array<i32>} : memref<8192xf32, #tpu.memory_space<vmem>>, vector<16xf32>,
          %get3A_197 = vector.shape_cast %get3A_196 : vector<16xf32> to vector<16xf32>
          %ge3A_198 = arith.cmpf oge, %get3A_197, %bitcast_convert_type3A_114 : vector<16xf32>
          %jit3A_199 = arith.constant 1 : i32
          %jit3A_200 = arith.constant 0 : i32
          %broadcast_in_dim3A_201 = vector.broadcast %jit3A_199 : i32 to vector<16xi32>
          %broadcast_in_dim3A_202 = vector.broadcast %jit3A_200 : i32 to vector<16xi32>
          %select_n3A_203 = arith.select %ge3A_198, %broadcast_in_dim3A_201, %broadcast_in_dim3A_202 : vector<16xi1>, vector<16xi32>
          %add3A_204 = arith.addi %while3A_191, %select_n3A_203 : vector<16xi32>
          %add3A_205 = arith.constant 16 : i32
          %add3A_206 = arith.addi %mul3A_193, %add3A_205 : i32
          %get3A_207 = arith.index_cast %add3A_206 : i32 to index
          %get3A_208 = tpu.vector_load %arg4[%get3A_207] {strides = array<i32>} : memref<8192xf32, #tpu.memory_space<vmem>>, vector<16xf32>,
          %get3A_209 = vector.shape_cast %get3A_208 : vector<16xf32> to vector<16xf32>
          %ge3A_210 = arith.cmpf oge, %get3A_209, %bitcast_convert_type3A_114 : vector<16xf32>
          %jit3A_211 = arith.constant 1 : i32
          %jit3A_212 = arith.constant 0 : i32
          %broadcast_in_dim3A_213 = vector.broadcast %jit3A_211 : i32 to vector<16xi32>
          %broadcast_in_dim3A_214 = vector.broadcast %jit3A_212 : i32 to vector<16xi32>
          %select_n3A_215 = arith.select %ge3A_210, %broadcast_in_dim3A_213, %broadcast_in_dim3A_214 : vector<16xi1>, vector<16xi32>
          %add3A_216 = arith.addi %add3A_204, %select_n3A_215 : vector<16xi32>
          %add3A_217 = arith.constant 32 : i32
          %add3A_218 = arith.addi %mul3A_193, %add3A_217 : i32
          %get3A_219 = arith.index_cast %add3A_218 : i32 to index
          %get3A_220 = tpu.vector_load %arg4[%get3A_219] {strides = array<i32>} : memref<8192xf32, #tpu.memory_space<vmem>>, vector<16xf32>,
          %get3A_221 = vector.shape_cast %get3A_220 : vector<16xf32> to vector<16xf32>
          %ge3A_222 = arith.cmpf oge, %get3A_221, %bitcast_convert_type3A_114 : vector<16xf32>
          %jit3A_223 = arith.constant 1 : i32
          %jit3A_224 = arith.constant 0 : i32
          %broadcast_in_dim3A_225 = vector.broadcast %jit3A_223 : i32 to vector<16xi32>
          %broadcast_in_dim3A_226 = vector.broadcast %jit3A_224 : i32 to vector<16xi32>
          %select_n3A_227 = arith.select %ge3A_222, %broadcast_in_dim3A_225, %broadcast_in_dim3A_226 : vector<16xi1>, vector<16xi32>
          %add3A_228 = arith.addi %add3A_216, %select_n3A_227 : vector<16xi32>
          %add3A_229 = arith.constant 48 : i32
          %add3A_230 = arith.addi %mul3A_193, %add3A_229 : i32
          %get3A_231 = arith.index_cast %add3A_230 : i32 to index
          %get3A_232 = tpu.vector_load %arg4[%get3A_231] {strides = array<i32>} : memref<8192xf32, #tpu.memory_space<vmem>>, vector<16xf32>,
          %get3A_233 = vector.shape_cast %get3A_232 : vector<16xf32> to vector<16xf32>
          %ge3A_234 = arith.cmpf oge, %get3A_233, %bitcast_convert_type3A_114 : vector<16xf32>
          %jit3A_235 = arith.constant 1 : i32
          %jit3A_236 = arith.constant 0 : i32
          %broadcast_in_dim3A_237 = vector.broadcast %jit3A_235 : i32 to vector<16xi32>
          %broadcast_in_dim3A_238 = vector.broadcast %jit3A_236 : i32 to vector<16xi32>
          %select_n3A_239 = arith.select %ge3A_234, %broadcast_in_dim3A_237, %broadcast_in_dim3A_238 : vector<16xi1>, vector<16xi32>
          %add3A_240 = arith.addi %add3A_228, %select_n3A_239 : vector<16xi32>
          %add3A_241 = arith.constant 64 : i32
          %add3A_242 = arith.addi %mul3A_193, %add3A_241 : i32
          %get3A_243 = arith.index_cast %add3A_242 : i32 to index
          %get3A_244 = tpu.vector_load %arg4[%get3A_243] {strides = array<i32>} : memref<8192xf32, #tpu.memory_space<vmem>>, vector<16xf32>,
          %get3A_245 = vector.shape_cast %get3A_244 : vector<16xf32> to vector<16xf32>
          %ge3A_246 = arith.cmpf oge, %get3A_245, %bitcast_convert_type3A_114 : vector<16xf32>
          %jit3A_247 = arith.constant 1 : i32
          %jit3A_248 = arith.constant 0 : i32
          %broadcast_in_dim3A_249 = vector.broadcast %jit3A_247 : i32 to vector<16xi32>
          %broadcast_in_dim3A_250 = vector.broadcast %jit3A_248 : i32 to vector<16xi32>
          %select_n3A_251 = arith.select %ge3A_246, %broadcast_in_dim3A_249, %broadcast_in_dim3A_250 : vector<16xi1>, vector<16xi32>
          %add3A_252 = arith.addi %add3A_240, %select_n3A_251 : vector<16xi32>
          %add3A_253 = arith.constant 80 : i32
          %add3A_254 = arith.addi %mul3A_193, %add3A_253 : i32
          %get3A_255 = arith.index_cast %add3A_254 : i32 to index
          %get3A_256 = tpu.vector_load %arg4[%get3A_255] {strides = array<i32>} : memref<8192xf32, #tpu.memory_space<vmem>>, vector<16xf32>,
          %get3A_257 = vector.shape_cast %get3A_256 : vector<16xf32> to vector<16xf32>
          %ge3A_258 = arith.cmpf oge, %get3A_257, %bitcast_convert_type3A_114 : vector<16xf32>
          %jit3A_259 = arith.constant 1 : i32
          %jit3A_260 = arith.constant 0 : i32
          %broadcast_in_dim3A_261 = vector.broadcast %jit3A_259 : i32 to vector<16xi32>
          %broadcast_in_dim3A_262 = vector.broadcast %jit3A_260 : i32 to vector<16xi32>
          %select_n3A_263 = arith.select %ge3A_258, %broadcast_in_dim3A_261, %broadcast_in_dim3A_262 : vector<16xi1>, vector<16xi32>
          %add3A_264 = arith.addi %add3A_252, %select_n3A_263 : vector<16xi32>
          %add3A_265 = arith.constant 96 : i32
          %add3A_266 = arith.addi %mul3A_193, %add3A_265 : i32
          %get3A_267 = arith.index_cast %add3A_266 : i32 to index
          %get3A_268 = tpu.vector_load %arg4[%get3A_267] {strides = array<i32>} : memref<8192xf32, #tpu.memory_space<vmem>>, vector<16xf32>,
          %get3A_269 = vector.shape_cast %get3A_268 : vector<16xf32> to vector<16xf32>
          %ge3A_270 = arith.cmpf oge, %get3A_269, %bitcast_convert_type3A_114 : vector<16xf32>
          %jit3A_271 = arith.constant 1 : i32
          %jit3A_272 = arith.constant 0 : i32
          %broadcast_in_dim3A_273 = vector.broadcast %jit3A_271 : i32 to vector<16xi32>
          %broadcast_in_dim3A_274 = vector.broadcast %jit3A_272 : i32 to vector<16xi32>
          %select_n3A_275 = arith.select %ge3A_270, %broadcast_in_dim3A_273, %broadcast_in_dim3A_274 : vector<16xi1>, vector<16xi32>
          %add3A_276 = arith.addi %add3A_264, %select_n3A_275 : vector<16xi32>
          %add3A_277 = arith.constant 112 : i32
          %add3A_278 = arith.addi %mul3A_193, %add3A_277 : i32
          %get3A_279 = arith.index_cast %add3A_278 : i32 to index
          %get3A_280 = tpu.vector_load %arg4[%get3A_279] {strides = array<i32>} : memref<8192xf32, #tpu.memory_space<vmem>>, vector<16xf32>,
          %get3A_281 = vector.shape_cast %get3A_280 : vector<16xf32> to vector<16xf32>
          %ge3A_282 = arith.cmpf oge, %get3A_281, %bitcast_convert_type3A_114 : vector<16xf32>
          %jit3A_283 = arith.constant 1 : i32
          %jit3A_284 = arith.constant 0 : i32
          %broadcast_in_dim3A_285 = vector.broadcast %jit3A_283 : i32 to vector<16xi32>
          %broadcast_in_dim3A_286 = vector.broadcast %jit3A_284 : i32 to vector<16xi32>
          %select_n3A_287 = arith.select %ge3A_282, %broadcast_in_dim3A_285, %broadcast_in_dim3A_286 : vector<16xi1>, vector<16xi32>
          %add3A_288 = arith.addi %add3A_276, %select_n3A_287 : vector<16xi32>
          scf.yield %add3A_288 : vector<16xi32>
        }
        %slice3A_128 = vector.extract_strided_slice %while3A_127 {offsets = [0], sizes = [1], strides = [1]} : vector<16xi32> to vector<1xi32>
        %squeeze3A_129 = vector.extract %slice3A_128[0] : i32 from vector<1xi32>
        %slice3A_130 = vector.extract_strided_slice %while3A_127 {offsets = [1], sizes = [1], strides = [1]} : vector<16xi32> to vector<1xi32>
        %squeeze3A_131 = vector.extract %slice3A_130[0] : i32 from vector<1xi32>
        %add3A_132 = arith.addi %squeeze3A_129, %squeeze3A_131 : i32
        %slice3A_133 = vector.extract_strided_slice %while3A_127 {offsets = [2], sizes = [1], strides = [1]} : vector<16xi32> to vector<1xi32>
        %squeeze3A_134 = vector.extract %slice3A_133[0] : i32 from vector<1xi32>
        %add3A_135 = arith.addi %add3A_132, %squeeze3A_134 : i32
        %slice3A_136 = vector.extract_strided_slice %while3A_127 {offsets = [3], sizes = [1], strides = [1]} : vector<16xi32> to vector<1xi32>
        %squeeze3A_137 = vector.extract %slice3A_136[0] : i32 from vector<1xi32>
        %add3A_138 = arith.addi %add3A_135, %squeeze3A_137 : i32
        %slice3A_139 = vector.extract_strided_slice %while3A_127 {offsets = [4], sizes = [1], strides = [1]} : vector<16xi32> to vector<1xi32>
        %squeeze3A_140 = vector.extract %slice3A_139[0] : i32 from vector<1xi32>
        %add3A_141 = arith.addi %add3A_138, %squeeze3A_140 : i32
        %slice3A_142 = vector.extract_strided_slice %while3A_127 {offsets = [5], sizes = [1], strides = [1]} : vector<16xi32> to vector<1xi32>
        %squeeze3A_143 = vector.extract %slice3A_142[0] : i32 from vector<1xi32>
        %add3A_144 = arith.addi %add3A_141, %squeeze3A_143 : i32
        %slice3A_145 = vector.extract_strided_slice %while3A_127 {offsets = [6], sizes = [1], strides = [1]} : vector<16xi32> to vector<1xi32>
        %squeeze3A_146 = vector.extract %slice3A_145[0] : i32 from vector<1xi32>
        %add3A_147 = arith.addi %add3A_144, %squeeze3A_146 : i32
        %slice3A_148 = vector.extract_strided_slice %while3A_127 {offsets = [7], sizes = [1], strides = [1]} : vector<16xi32> to vector<1xi32>
        %squeeze3A_149 = vector.extract %slice3A_148[0] : i32 from vector<1xi32>
        %add3A_150 = arith.addi %add3A_147, %squeeze3A_149 : i32
        %slice3A_151 = vector.extract_strided_slice %while3A_127 {offsets = [8], sizes = [1], strides = [1]} : vector<16xi32> to vector<1xi32>
        %squeeze3A_152 = vector.extract %slice3A_151[0] : i32 from vector<1xi32>
        %add3A_153 = arith.addi %add3A_150, %squeeze3A_152 : i32
        %slice3A_154 = vector.extract_strided_slice %while3A_127 {offsets = [9], sizes = [1], strides = [1]} : vector<16xi32> to vector<1xi32>
        %squeeze3A_155 = vector.extract %slice3A_154[0] : i32 from vector<1xi32>
        %add3A_156 = arith.addi %add3A_153, %squeeze3A_155 : i32
        %slice3A_157 = vector.extract_strided_slice %while3A_127 {offsets = [10], sizes = [1], strides = [1]} : vector<16xi32> to vector<1xi32>
        %squeeze3A_158 = vector.extract %slice3A_157[0] : i32 from vector<1xi32>
        %add3A_159 = arith.addi %add3A_156, %squeeze3A_158 : i32
        %slice3A_160 = vector.extract_strided_slice %while3A_127 {offsets = [11], sizes = [1], strides = [1]} : vector<16xi32> to vector<1xi32>
        %squeeze3A_161 = vector.extract %slice3A_160[0] : i32 from vector<1xi32>
        %add3A_162 = arith.addi %add3A_159, %squeeze3A_161 : i32
        %slice3A_163 = vector.extract_strided_slice %while3A_127 {offsets = [12], sizes = [1], strides = [1]} : vector<16xi32> to vector<1xi32>
        %squeeze3A_164 = vector.extract %slice3A_163[0] : i32 from vector<1xi32>
        %add3A_165 = arith.addi %add3A_162, %squeeze3A_164 : i32
        %slice3A_166 = vector.extract_strided_slice %while3A_127 {offsets = [13], sizes = [1], strides = [1]} : vector<16xi32> to vector<1xi32>
        %squeeze3A_167 = vector.extract %slice3A_166[0] : i32 from vector<1xi32>
        %add3A_168 = arith.addi %add3A_165, %squeeze3A_167 : i32
        %slice3A_169 = vector.extract_strided_slice %while3A_127 {offsets = [14], sizes = [1], strides = [1]} : vector<16xi32> to vector<1xi32>
        %squeeze3A_170 = vector.extract %slice3A_169[0] : i32 from vector<1xi32>
        %add3A_171 = arith.addi %add3A_168, %squeeze3A_170 : i32
        %slice3A_172 = vector.extract_strided_slice %while3A_127 {offsets = [15], sizes = [1], strides = [1]} : vector<16xi32> to vector<1xi32>
        %squeeze3A_173 = vector.extract %slice3A_172[0] : i32 from vector<1xi32>
        %add3A_174 = arith.addi %add3A_171, %squeeze3A_173 : i32
        %not3A = arith.constant true
        %not3A_175 = arith.xori %scan3A_96, %not3A : i1
        %eq3A = arith.constant 2458 : i32
        %eq3A_176 = arith.cmpi eq, %add3A_174, %eq3A : i32
        %and3A_177 = arith.andi %not3A_175, %eq3A_176 : i1
        %ge3A = arith.constant 2458 : i32
        %ge3A_178 = arith.cmpi sge, %add3A_174, %ge3A : i32
        %not3A_179 = arith.constant true
        %not3A_180 = arith.xori %ge3A_178, %not3A_179 : i1
        %or3A = arith.ori %scan3A_96, %not3A_180 : i1
        %select_n3A_181 = arith.select %or3A, %scan3A_93, %add3A_105 : i32
        %or3A_182 = arith.ori %scan3A_96, %ge3A_178 : i1
        %select_n3A_183 = arith.select %or3A_182, %scan3A_94, %add3A_105 : i32
        %sub3A_184 = arith.subi %select_n3A_183, %select_n3A_181 : i32
        %le3A = arith.constant 1 : i32
        %le3A_185 = arith.cmpi sle, %sub3A_184, %le3A : i32
        %or3A_186 = arith.ori %and3A_177, %le3A_185 : i1
        %or3A_187 = arith.ori %scan3A_96, %or3A_186 : i1
        %select_n3A_188 = arith.select %and3A_177, %add3A_105, %select_n3A_181 : i32
        %select_n3A_189 = arith.select %scan3A_96, %scan3A_95, %select_n3A_188 : i32
        scf.yield %select_n3A_181, %select_n3A_183, %select_n3A_189, %or3A_187 : i32, i32, i32, i1
      }
      %scan3A_24 = arith.constant 33 : i32
      %broadcast_in_dim3A_25 = vector.broadcast %scan3A_23#2 : i32 to vector<16xi32>
      %shift_right_arithmetic3A = arith.constant 31 : i32
      %shift_right_arithmetic3A_26 = vector.broadcast %shift_right_arithmetic3A : i32 to vector<16xi32>
      %shift_right_arithmetic3A_27 = arith.shrsi %broadcast_in_dim3A_25, %shift_right_arithmetic3A_26 : vector<16xi32>
      %and3A = arith.constant 2147483647 : i32
      %and3A_28 = vector.broadcast %and3A : i32 to vector<16xi32>
      %and3A_29 = arith.andi %shift_right_arithmetic3A_27, %and3A_28 : vector<16xi32>
      %xor3A = arith.xori %broadcast_in_dim3A_25, %and3A_29 : vector<16xi32>
      %bitcast_convert_type3A = tpu.bitcast %xor3A : vector<16xi32> -> vector<16xf32>
      %broadcast_in_dim3A_30 = arith.constant 0.000000e+00 : f32
      %broadcast_in_dim3A_31 = vector.broadcast %broadcast_in_dim3A_30 : f32 to vector<16xf32>
      %broadcast_in_dim3A_32 = arith.constant 0 : i32
      %broadcast_in_dim3A_33 = vector.broadcast %broadcast_in_dim3A_32 : i32 to vector<16xi32>
      %scan3A_34 = arith.constant 0 : i32
      %scan3A_35 = arith.constant 64 : i32
      %scan3A_36 = arith.addi %scan3A_34, %scan3A_35 : i32
      %scan3A_37 = arith.constant 1 : i32
      %scan3A_38:2 = scf.for %scan3A_92 = %scan3A_34 to %scan3A_36 step %scan3A_37 iter_args(%scan3A_93 = %broadcast_in_dim3A_31, %scan3A_94 = %broadcast_in_dim3A_33) -> (vector<16xf32>, vector<16xi32>)  : i32 {
        %mul3A_95 = arith.constant 128 : i32
        %mul3A_96 = arith.muli %scan3A_92, %mul3A_95 : i32
        %add3A_97 = arith.constant 0 : i32
        %add3A_98 = arith.addi %mul3A_96, %add3A_97 : i32
        %get3A = arith.index_cast %add3A_98 : i32 to index
        %get3A_99 = tpu.vector_load %arg4[%get3A] {strides = array<i32>} : memref<8192xf32, #tpu.memory_space<vmem>>, vector<16xf32>,
        %get3A_100 = vector.shape_cast %get3A_99 : vector<16xf32> to vector<16xf32>
        %gt3A = arith.cmpf ogt, %get3A_100, %bitcast_convert_type3A : vector<16xf32>
        %jit3A = arith.constant 0.000000e+00 : f32
        %broadcast_in_dim3A_101 = vector.broadcast %jit3A : f32 to vector<16xf32>
        %select_n3A = arith.select %gt3A, %get3A_100, %broadcast_in_dim3A_101 : vector<16xi1>, vector<16xf32>
        %add3A_102 = arith.addf %scan3A_93, %select_n3A : vector<16xf32>
        %jit3A_103 = arith.constant 1 : i32
        %jit3A_104 = arith.constant 0 : i32
        %broadcast_in_dim3A_105 = vector.broadcast %jit3A_103 : i32 to vector<16xi32>
        %broadcast_in_dim3A_106 = vector.broadcast %jit3A_104 : i32 to vector<16xi32>
        %select_n3A_107 = arith.select %gt3A, %broadcast_in_dim3A_105, %broadcast_in_dim3A_106 : vector<16xi1>, vector<16xi32>
        %add3A_108 = arith.addi %scan3A_94, %select_n3A_107 : vector<16xi32>
        %add3A_109 = arith.constant 16 : i32
        %add3A_110 = arith.addi %mul3A_96, %add3A_109 : i32
        %get3A_111 = arith.index_cast %add3A_110 : i32 to index
        %get3A_112 = tpu.vector_load %arg4[%get3A_111] {strides = array<i32>} : memref<8192xf32, #tpu.memory_space<vmem>>, vector<16xf32>,
        %get3A_113 = vector.shape_cast %get3A_112 : vector<16xf32> to vector<16xf32>
        %gt3A_114 = arith.cmpf ogt, %get3A_113, %bitcast_convert_type3A : vector<16xf32>
        %jit3A_115 = arith.constant 0.000000e+00 : f32
        %broadcast_in_dim3A_116 = vector.broadcast %jit3A_115 : f32 to vector<16xf32>
        %select_n3A_117 = arith.select %gt3A_114, %get3A_113, %broadcast_in_dim3A_116 : vector<16xi1>, vector<16xf32>
        %add3A_118 = arith.addf %add3A_102, %select_n3A_117 : vector<16xf32>
        %jit3A_119 = arith.constant 1 : i32
        %jit3A_120 = arith.constant 0 : i32
        %broadcast_in_dim3A_121 = vector.broadcast %jit3A_119 : i32 to vector<16xi32>
        %broadcast_in_dim3A_122 = vector.broadcast %jit3A_120 : i32 to vector<16xi32>
        %select_n3A_123 = arith.select %gt3A_114, %broadcast_in_dim3A_121, %broadcast_in_dim3A_122 : vector<16xi1>, vector<16xi32>
        %add3A_124 = arith.addi %add3A_108, %select_n3A_123 : vector<16xi32>
        %add3A_125 = arith.constant 32 : i32
        %add3A_126 = arith.addi %mul3A_96, %add3A_125 : i32
        %get3A_127 = arith.index_cast %add3A_126 : i32 to index
        %get3A_128 = tpu.vector_load %arg4[%get3A_127] {strides = array<i32>} : memref<8192xf32, #tpu.memory_space<vmem>>, vector<16xf32>,
        %get3A_129 = vector.shape_cast %get3A_128 : vector<16xf32> to vector<16xf32>
        %gt3A_130 = arith.cmpf ogt, %get3A_129, %bitcast_convert_type3A : vector<16xf32>
        %jit3A_131 = arith.constant 0.000000e+00 : f32
        %broadcast_in_dim3A_132 = vector.broadcast %jit3A_131 : f32 to vector<16xf32>
        %select_n3A_133 = arith.select %gt3A_130, %get3A_129, %broadcast_in_dim3A_132 : vector<16xi1>, vector<16xf32>
        %add3A_134 = arith.addf %add3A_118, %select_n3A_133 : vector<16xf32>
        %jit3A_135 = arith.constant 1 : i32
        %jit3A_136 = arith.constant 0 : i32
        %broadcast_in_dim3A_137 = vector.broadcast %jit3A_135 : i32 to vector<16xi32>
        %broadcast_in_dim3A_138 = vector.broadcast %jit3A_136 : i32 to vector<16xi32>
        %select_n3A_139 = arith.select %gt3A_130, %broadcast_in_dim3A_137, %broadcast_in_dim3A_138 : vector<16xi1>, vector<16xi32>
        %add3A_140 = arith.addi %add3A_124, %select_n3A_139 : vector<16xi32>
        %add3A_141 = arith.constant 48 : i32
        %add3A_142 = arith.addi %mul3A_96, %add3A_141 : i32
        %get3A_143 = arith.index_cast %add3A_142 : i32 to index
        %get3A_144 = tpu.vector_load %arg4[%get3A_143] {strides = array<i32>} : memref<8192xf32, #tpu.memory_space<vmem>>, vector<16xf32>,
        %get3A_145 = vector.shape_cast %get3A_144 : vector<16xf32> to vector<16xf32>
        %gt3A_146 = arith.cmpf ogt, %get3A_145, %bitcast_convert_type3A : vector<16xf32>
        %jit3A_147 = arith.constant 0.000000e+00 : f32
        %broadcast_in_dim3A_148 = vector.broadcast %jit3A_147 : f32 to vector<16xf32>
        %select_n3A_149 = arith.select %gt3A_146, %get3A_145, %broadcast_in_dim3A_148 : vector<16xi1>, vector<16xf32>
        %add3A_150 = arith.addf %add3A_134, %select_n3A_149 : vector<16xf32>
        %jit3A_151 = arith.constant 1 : i32
        %jit3A_152 = arith.constant 0 : i32
        %broadcast_in_dim3A_153 = vector.broadcast %jit3A_151 : i32 to vector<16xi32>
        %broadcast_in_dim3A_154 = vector.broadcast %jit3A_152 : i32 to vector<16xi32>
        %select_n3A_155 = arith.select %gt3A_146, %broadcast_in_dim3A_153, %broadcast_in_dim3A_154 : vector<16xi1>, vector<16xi32>
        %add3A_156 = arith.addi %add3A_140, %select_n3A_155 : vector<16xi32>
        %add3A_157 = arith.constant 64 : i32
        %add3A_158 = arith.addi %mul3A_96, %add3A_157 : i32
        %get3A_159 = arith.index_cast %add3A_158 : i32 to index
        %get3A_160 = tpu.vector_load %arg4[%get3A_159] {strides = array<i32>} : memref<8192xf32, #tpu.memory_space<vmem>>, vector<16xf32>,
        %get3A_161 = vector.shape_cast %get3A_160 : vector<16xf32> to vector<16xf32>
        %gt3A_162 = arith.cmpf ogt, %get3A_161, %bitcast_convert_type3A : vector<16xf32>
        %jit3A_163 = arith.constant 0.000000e+00 : f32
        %broadcast_in_dim3A_164 = vector.broadcast %jit3A_163 : f32 to vector<16xf32>
        %select_n3A_165 = arith.select %gt3A_162, %get3A_161, %broadcast_in_dim3A_164 : vector<16xi1>, vector<16xf32>
        %add3A_166 = arith.addf %add3A_150, %select_n3A_165 : vector<16xf32>
        %jit3A_167 = arith.constant 1 : i32
        %jit3A_168 = arith.constant 0 : i32
        %broadcast_in_dim3A_169 = vector.broadcast %jit3A_167 : i32 to vector<16xi32>
        %broadcast_in_dim3A_170 = vector.broadcast %jit3A_168 : i32 to vector<16xi32>
        %select_n3A_171 = arith.select %gt3A_162, %broadcast_in_dim3A_169, %broadcast_in_dim3A_170 : vector<16xi1>, vector<16xi32>
        %add3A_172 = arith.addi %add3A_156, %select_n3A_171 : vector<16xi32>
        %add3A_173 = arith.constant 80 : i32
        %add3A_174 = arith.addi %mul3A_96, %add3A_173 : i32
        %get3A_175 = arith.index_cast %add3A_174 : i32 to index
        %get3A_176 = tpu.vector_load %arg4[%get3A_175] {strides = array<i32>} : memref<8192xf32, #tpu.memory_space<vmem>>, vector<16xf32>,
        %get3A_177 = vector.shape_cast %get3A_176 : vector<16xf32> to vector<16xf32>
        %gt3A_178 = arith.cmpf ogt, %get3A_177, %bitcast_convert_type3A : vector<16xf32>
        %jit3A_179 = arith.constant 0.000000e+00 : f32
        %broadcast_in_dim3A_180 = vector.broadcast %jit3A_179 : f32 to vector<16xf32>
        %select_n3A_181 = arith.select %gt3A_178, %get3A_177, %broadcast_in_dim3A_180 : vector<16xi1>, vector<16xf32>
        %add3A_182 = arith.addf %add3A_166, %select_n3A_181 : vector<16xf32>
        %jit3A_183 = arith.constant 1 : i32
        %jit3A_184 = arith.constant 0 : i32
        %broadcast_in_dim3A_185 = vector.broadcast %jit3A_183 : i32 to vector<16xi32>
        %broadcast_in_dim3A_186 = vector.broadcast %jit3A_184 : i32 to vector<16xi32>
        %select_n3A_187 = arith.select %gt3A_178, %broadcast_in_dim3A_185, %broadcast_in_dim3A_186 : vector<16xi1>, vector<16xi32>
        %add3A_188 = arith.addi %add3A_172, %select_n3A_187 : vector<16xi32>
        %add3A_189 = arith.constant 96 : i32
        %add3A_190 = arith.addi %mul3A_96, %add3A_189 : i32
        %get3A_191 = arith.index_cast %add3A_190 : i32 to index
        %get3A_192 = tpu.vector_load %arg4[%get3A_191] {strides = array<i32>} : memref<8192xf32, #tpu.memory_space<vmem>>, vector<16xf32>,
        %get3A_193 = vector.shape_cast %get3A_192 : vector<16xf32> to vector<16xf32>
        %gt3A_194 = arith.cmpf ogt, %get3A_193, %bitcast_convert_type3A : vector<16xf32>
        %jit3A_195 = arith.constant 0.000000e+00 : f32
        %broadcast_in_dim3A_196 = vector.broadcast %jit3A_195 : f32 to vector<16xf32>
        %select_n3A_197 = arith.select %gt3A_194, %get3A_193, %broadcast_in_dim3A_196 : vector<16xi1>, vector<16xf32>
        %add3A_198 = arith.addf %add3A_182, %select_n3A_197 : vector<16xf32>
        %jit3A_199 = arith.constant 1 : i32
        %jit3A_200 = arith.constant 0 : i32
        %broadcast_in_dim3A_201 = vector.broadcast %jit3A_199 : i32 to vector<16xi32>
        %broadcast_in_dim3A_202 = vector.broadcast %jit3A_200 : i32 to vector<16xi32>
        %select_n3A_203 = arith.select %gt3A_194, %broadcast_in_dim3A_201, %broadcast_in_dim3A_202 : vector<16xi1>, vector<16xi32>
        %add3A_204 = arith.addi %add3A_188, %select_n3A_203 : vector<16xi32>
        %add3A_205 = arith.constant 112 : i32
        %add3A_206 = arith.addi %mul3A_96, %add3A_205 : i32
        %get3A_207 = arith.index_cast %add3A_206 : i32 to index
        %get3A_208 = tpu.vector_load %arg4[%get3A_207] {strides = array<i32>} : memref<8192xf32, #tpu.memory_space<vmem>>, vector<16xf32>,
        %get3A_209 = vector.shape_cast %get3A_208 : vector<16xf32> to vector<16xf32>
        %gt3A_210 = arith.cmpf ogt, %get3A_209, %bitcast_convert_type3A : vector<16xf32>
        %jit3A_211 = arith.constant 0.000000e+00 : f32
        %broadcast_in_dim3A_212 = vector.broadcast %jit3A_211 : f32 to vector<16xf32>
        %select_n3A_213 = arith.select %gt3A_210, %get3A_209, %broadcast_in_dim3A_212 : vector<16xi1>, vector<16xf32>
        %add3A_214 = arith.addf %add3A_198, %select_n3A_213 : vector<16xf32>
        %jit3A_215 = arith.constant 1 : i32
        %jit3A_216 = arith.constant 0 : i32
        %broadcast_in_dim3A_217 = vector.broadcast %jit3A_215 : i32 to vector<16xi32>
        %broadcast_in_dim3A_218 = vector.broadcast %jit3A_216 : i32 to vector<16xi32>
        %select_n3A_219 = arith.select %gt3A_210, %broadcast_in_dim3A_217, %broadcast_in_dim3A_218 : vector<16xi1>, vector<16xi32>
        %add3A_220 = arith.addi %add3A_204, %select_n3A_219 : vector<16xi32>
        scf.yield %add3A_214, %add3A_220 : vector<16xf32>, vector<16xi32>
      }
      %scan3A_39 = arith.constant 64 : i32
      %slice3A = vector.extract_strided_slice %scan3A_38#1 {offsets = [0], sizes = [1], strides = [1]} : vector<16xi32> to vector<1xi32>
      %squeeze3A = vector.extract %slice3A[0] : i32 from vector<1xi32>
      %slice3A_40 = vector.extract_strided_slice %scan3A_38#1 {offsets = [1], sizes = [1], strides = [1]} : vector<16xi32> to vector<1xi32>
      %squeeze3A_41 = vector.extract %slice3A_40[0] : i32 from vector<1xi32>
      %add3A_42 = arith.addi %squeeze3A, %squeeze3A_41 : i32
      %slice3A_43 = vector.extract_strided_slice %scan3A_38#1 {offsets = [2], sizes = [1], strides = [1]} : vector<16xi32> to vector<1xi32>
      %squeeze3A_44 = vector.extract %slice3A_43[0] : i32 from vector<1xi32>
      %add3A_45 = arith.addi %add3A_42, %squeeze3A_44 : i32
      %slice3A_46 = vector.extract_strided_slice %scan3A_38#1 {offsets = [3], sizes = [1], strides = [1]} : vector<16xi32> to vector<1xi32>
      %squeeze3A_47 = vector.extract %slice3A_46[0] : i32 from vector<1xi32>
      %add3A_48 = arith.addi %add3A_45, %squeeze3A_47 : i32
      %slice3A_49 = vector.extract_strided_slice %scan3A_38#1 {offsets = [4], sizes = [1], strides = [1]} : vector<16xi32> to vector<1xi32>
      %squeeze3A_50 = vector.extract %slice3A_49[0] : i32 from vector<1xi32>
      %add3A_51 = arith.addi %add3A_48, %squeeze3A_50 : i32
      %slice3A_52 = vector.extract_strided_slice %scan3A_38#1 {offsets = [5], sizes = [1], strides = [1]} : vector<16xi32> to vector<1xi32>
      %squeeze3A_53 = vector.extract %slice3A_52[0] : i32 from vector<1xi32>
      %add3A_54 = arith.addi %add3A_51, %squeeze3A_53 : i32
      %slice3A_55 = vector.extract_strided_slice %scan3A_38#1 {offsets = [6], sizes = [1], strides = [1]} : vector<16xi32> to vector<1xi32>
      %squeeze3A_56 = vector.extract %slice3A_55[0] : i32 from vector<1xi32>
      %add3A_57 = arith.addi %add3A_54, %squeeze3A_56 : i32
      %slice3A_58 = vector.extract_strided_slice %scan3A_38#1 {offsets = [7], sizes = [1], strides = [1]} : vector<16xi32> to vector<1xi32>
      %squeeze3A_59 = vector.extract %slice3A_58[0] : i32 from vector<1xi32>
      %add3A_60 = arith.addi %add3A_57, %squeeze3A_59 : i32
      %slice3A_61 = vector.extract_strided_slice %scan3A_38#1 {offsets = [8], sizes = [1], strides = [1]} : vector<16xi32> to vector<1xi32>
      %squeeze3A_62 = vector.extract %slice3A_61[0] : i32 from vector<1xi32>
      %add3A_63 = arith.addi %add3A_60, %squeeze3A_62 : i32
      %slice3A_64 = vector.extract_strided_slice %scan3A_38#1 {offsets = [9], sizes = [1], strides = [1]} : vector<16xi32> to vector<1xi32>
      %squeeze3A_65 = vector.extract %slice3A_64[0] : i32 from vector<1xi32>
      %add3A_66 = arith.addi %add3A_63, %squeeze3A_65 : i32
      %slice3A_67 = vector.extract_strided_slice %scan3A_38#1 {offsets = [10], sizes = [1], strides = [1]} : vector<16xi32> to vector<1xi32>
      %squeeze3A_68 = vector.extract %slice3A_67[0] : i32 from vector<1xi32>
      %add3A_69 = arith.addi %add3A_66, %squeeze3A_68 : i32
      %slice3A_70 = vector.extract_strided_slice %scan3A_38#1 {offsets = [11], sizes = [1], strides = [1]} : vector<16xi32> to vector<1xi32>
      %squeeze3A_71 = vector.extract %slice3A_70[0] : i32 from vector<1xi32>
      %add3A_72 = arith.addi %add3A_69, %squeeze3A_71 : i32
      %slice3A_73 = vector.extract_strided_slice %scan3A_38#1 {offsets = [12], sizes = [1], strides = [1]} : vector<16xi32> to vector<1xi32>
      %squeeze3A_74 = vector.extract %slice3A_73[0] : i32 from vector<1xi32>
      %add3A_75 = arith.addi %add3A_72, %squeeze3A_74 : i32
      %slice3A_76 = vector.extract_strided_slice %scan3A_38#1 {offsets = [13], sizes = [1], strides = [1]} : vector<16xi32> to vector<1xi32>
      %squeeze3A_77 = vector.extract %slice3A_76[0] : i32 from vector<1xi32>
      %add3A_78 = arith.addi %add3A_75, %squeeze3A_77 : i32
      %slice3A_79 = vector.extract_strided_slice %scan3A_38#1 {offsets = [14], sizes = [1], strides = [1]} : vector<16xi32> to vector<1xi32>
      %squeeze3A_80 = vector.extract %slice3A_79[0] : i32 from vector<1xi32>
      %add3A_81 = arith.addi %add3A_78, %squeeze3A_80 : i32
      %slice3A_82 = vector.extract_strided_slice %scan3A_38#1 {offsets = [15], sizes = [1], strides = [1]} : vector<16xi32> to vector<1xi32>
      %squeeze3A_83 = vector.extract %slice3A_82[0] : i32 from vector<1xi32>
      %add3A_84 = arith.addi %add3A_81, %squeeze3A_83 : i32
      %convert_element_type3A = arith.sitofp %add3A_84 : i32 to f32
      %sub3A = arith.constant 2.458000e+03 : f32
      %sub3A_85 = arith.subf %sub3A, %convert_element_type3A : f32
      %mul3A_86 = arith.constant 6.250000e-02 : f32
      %mul3A_87 = arith.mulf %sub3A_85, %mul3A_86 : f32
      %add3A_88 = arith.addf %scan3A_13, %scan3A_38#0 : vector<16xf32>
      %broadcast_in_dim3A_89 = vector.broadcast %mul3A_87 : f32 to vector<16xf32>
      %mul3A_90 = arith.mulf %broadcast_in_dim3A_89, %bitcast_convert_type3A : vector<16xf32>
      %add3A_91 = arith.addf %add3A_88, %mul3A_90 : vector<16xf32>
      scf.yield %add3A_91 : vector<16xf32>
    }
    %scan3A_8 = arith.constant 20 : i32
    %swap3A = arith.constant 0 : index
    %swap3A_9 = tpu.vector_load %arg5[%swap3A] {strides = array<i32>} : memref<16xf32, #tpu.memory_space<vmem>>, vector<16xf32>,
    %swap3A_10 = vector.shape_cast %swap3A_9 : vector<16xf32> to vector<16xf32>
    %swap3A_11 = vector.shape_cast %scan3A_7 : vector<16xf32> to vector<16xf32>
    tpu.vector_store %arg5[%swap3A], %swap3A_11 {strides = array<i32>} : memref<16xf32, #tpu.memory_space<vmem>>, vector<16xf32>,
    "tpu.region"() ({
      %run_scoped3A = tpu.sem_alloc : memref<!tpu.dma_semaphore, #tpu.memory_space<semaphore_mem>>
      %dma_start3A = arith.constant 0 : i32
      %dma_start3A_12 = tpu.memref_slice %arg3[%add3A, %dma_start3A] : memref<32x16xf32, #tpu.memory_space<hbm>> -> memref<1x16xf32, #tpu.memory_space<hbm>>
      %dma_start3A_13 = tpu.memref_squeeze %dma_start3A_12 : memref<1x16xf32, #tpu.memory_space<hbm>> -> memref<16xf32, #tpu.memory_space<hbm>>
      %dma_start3A_14 = arith.constant 0 : i32
      %dma_start3A_15 = tpu.memref_slice %arg3[%add3A, %dma_start3A_14] : memref<32x16xf32, #tpu.memory_space<hbm>> -> memref<1x16xf32, #tpu.memory_space<hbm>>
      %dma_start3A_16 = tpu.memref_squeeze %dma_start3A_15 : memref<1x16xf32, #tpu.memory_space<hbm>> -> memref<16xf32, #tpu.memory_space<hbm>>
      tpu.enqueue_dma source(%arg5 : memref<16xf32, #tpu.memory_space<vmem>>) target(%dma_start3A_16 : memref<16xf32, #tpu.memory_space<hbm>>) target_semaphore(%run_scoped3A : memref<!tpu.dma_semaphore, #tpu.memory_space<semaphore_mem>>)
      %dma_wait3A = arith.constant 0 : i32
      %dma_wait3A_17 = tpu.memref_slice %arg3[%add3A, %dma_wait3A] : memref<32x16xf32, #tpu.memory_space<hbm>> -> memref<1x16xf32, #tpu.memory_space<hbm>>
      %dma_wait3A_18 = tpu.memref_squeeze %dma_wait3A_17 : memref<1x16xf32, #tpu.memory_space<hbm>> -> memref<16xf32, #tpu.memory_space<hbm>>
      %dma_wait3A_19 = arith.constant 0 : i32
      %dma_wait3A_20 = tpu.memref_slice %arg3[%add3A, %dma_wait3A_19] : memref<32x16xf32, #tpu.memory_space<hbm>> -> memref<1x16xf32, #tpu.memory_space<hbm>>
      %dma_wait3A_21 = tpu.memref_squeeze %dma_wait3A_20 : memref<1x16xf32, #tpu.memory_space<hbm>> -> memref<16xf32, #tpu.memory_space<hbm>>
      tpu.wait_dma2 semaphore(%run_scoped3A : memref<!tpu.dma_semaphore, #tpu.memory_space<semaphore_mem>>) src(%arg5 : memref<16xf32, #tpu.memory_space<vmem>>) dst(%dma_wait3A_21 : memref<16xf32, #tpu.memory_space<hbm>>)
      tpu.yield
    }) : () -> ()
    return
  }
}

module attributes {stable_mosaic.version = 14 : i64} {
  func.func @_reduce_body(%arg0: memref<32x16xf32, #tpu.memory_space<vmem>>, %arg1: memref<1408x1xf32, #tpu.memory_space<vmem>>, %arg2: memref<1x1xf32, #tpu.memory_space<vmem>>) attributes {dimension_semantics = [], scalar_prefetch = 0 : i64, scratch_operands = 0 : i64, tpu.core_type = #tpu.core_type<tc>} {
    %get3A = arith.constant 0 : index
    %get3A_0 = arith.constant 0 : index
    %get3A_1 = vector.load %arg0[%get3A, %get3A_0] : memref<32x16xf32, #tpu.memory_space<vmem>>, vector<32x16xf32>
    %reduce_sum3A = vector.shape_cast %get3A_1 : vector<32x16xf32> to vector<1x32x16xf32>
    %reduce_sum3A_2 = arith.constant dense<0.000000e+00> : vector<1xf32>
    %reduce_sum3A_3 = vector.multi_reduction <add>, %reduce_sum3A, %reduce_sum3A_2 [1, 2] : vector<1x32x16xf32> to vector<1xf32>
    %reduce_sum3A_4 = vector.shape_cast %reduce_sum3A_3 : vector<1xf32> to vector<1x1x1xf32>
    %reduce_sum3A_5 = vector.extract %reduce_sum3A_4[0, 0, 0] : f32 from vector<1x1x1xf32>
    %get3A_6 = arith.constant 0 : index
    %get3A_7 = arith.constant 0 : index
    %get3A_8 = vector.load %arg1[%get3A_6, %get3A_7] : memref<1408x1xf32, #tpu.memory_space<vmem>>, vector<1408x1xf32>
    %reduce_sum3A_9 = vector.shape_cast %get3A_8 : vector<1408x1xf32> to vector<1x1408x1xf32>
    %reduce_sum3A_10 = arith.constant dense<0.000000e+00> : vector<1xf32>
    %reduce_sum3A_11 = vector.multi_reduction <add>, %reduce_sum3A_9, %reduce_sum3A_10 [1, 2] : vector<1x1408x1xf32> to vector<1xf32>
    %reduce_sum3A_12 = vector.shape_cast %reduce_sum3A_11 : vector<1xf32> to vector<1x1x1xf32>
    %reduce_sum3A_13 = vector.extract %reduce_sum3A_12[0, 0, 0] : f32 from vector<1x1x1xf32>
    %add3A = arith.addf %reduce_sum3A_5, %reduce_sum3A_13 : f32
    %mul3A = arith.constant 1.98649815E-7 : f32
    %mul3A_14 = arith.mulf %add3A, %mul3A : f32
    %broadcast_in_dim3A = vector.broadcast %mul3A_14 : f32 to vector<1x1xf32>
    %swap3A = arith.constant 0 : index
    %swap3A_15 = arith.constant 0 : index
    %swap3A_16 = vector.load %arg2[%swap3A, %swap3A_15] : memref<1x1xf32, #tpu.memory_space<vmem>>, vector<1x1xf32>
    tpu.vector_store %arg2[%swap3A, %swap3A_15], %broadcast_in_dim3A {strides = array<i32>} : memref<1x1xf32, #tpu.memory_space<vmem>>, vector<1x1xf32>,
    return
  }
}

module attributes {stable_mosaic.version = 14 : i64} {
  func.func @_tc_body(%arg0: i32, %arg1: memref<128x8192xf32, #tpu.memory_space<vmem>>, %arg2: memref<128x1xf32, #tpu.memory_space<vmem>>) attributes {dimension_semantics = [#tpu.dimension_semantics<arbitrary>], iteration_bounds = array<i64: 11>, scalar_prefetch = 0 : i64, scratch_operands = 0 : i64, tpu.core_type = #tpu.core_type<tc>, window_params = [{transform_indices = @transform_0, window_bounds = array<i64: 128, 8192>}, {transform_indices = @transform_1, window_bounds = array<i64: 128, 1>}]} {
    %get3A = arith.constant 0 : index
    %get3A_0 = arith.constant 0 : index
    %get3A_1 = vector.load %arg1[%get3A, %get3A_0] : memref<128x8192xf32, #tpu.memory_space<vmem>>, vector<128x8192xf32>
    %broadcast_in_dim3A = arith.constant -2139095041 : i32
    %broadcast_in_dim3A_2 = vector.broadcast %broadcast_in_dim3A : i32 to vector<128x1xi32>
    %broadcast_in_dim3A_3 = arith.constant 2139095040 : i32
    %broadcast_in_dim3A_4 = vector.broadcast %broadcast_in_dim3A_3 : i32 to vector<128x1xi32>
    %broadcast_in_dim3A_5 = arith.constant 0 : i32
    %broadcast_in_dim3A_6 = vector.broadcast %broadcast_in_dim3A_5 : i32 to vector<128x1xi32>
    %while3A:4 = scf.while (%while3A_23 = %broadcast_in_dim3A_2, %while3A_24 = %broadcast_in_dim3A_4, %while3A_25 = %broadcast_in_dim3A_2, %while3A_26 = %broadcast_in_dim3A_6) : (vector<128x1xi32>, vector<128x1xi32>, vector<128x1xi32>, vector<128x1xi32>) -> (vector<128x1xi32>, vector<128x1xi32>, vector<128x1xi32>, vector<128x1xi32>) {
      %reduce_min3A = vector.shape_cast %while3A_26 : vector<128x1xi32> to vector<1x128x1xi32>
      %reduce_min3A_27 = arith.constant dense<2147483647> : vector<1xi32>
      %reduce_min3A_28 = vector.multi_reduction <minsi>, %reduce_min3A, %reduce_min3A_27 [1, 2] : vector<1x128x1xi32> to vector<1xi32>
      %reduce_min3A_29 = vector.shape_cast %reduce_min3A_28 : vector<1xi32> to vector<1x1x1xi32>
      %reduce_min3A_30 = vector.extract %reduce_min3A_29[0, 0, 0] : i32 from vector<1x1x1xi32>
      %eq3A = arith.constant 0 : i32
      %eq3A_31 = arith.cmpi eq, %reduce_min3A_30, %eq3A : i32
      scf.condition(%eq3A_31) %while3A_23, %while3A_24, %while3A_25, %while3A_26 : vector<128x1xi32>, vector<128x1xi32>, vector<128x1xi32>, vector<128x1xi32>
    } do {
    ^bb0(%while3A_23: vector<128x1xi32>, %while3A_24: vector<128x1xi32>, %while3A_25: vector<128x1xi32>, %while3A_26: vector<128x1xi32>):
      %eq3A = arith.constant 0 : i32
      %eq3A_27 = vector.broadcast %eq3A : i32 to vector<128x1xi32>
      %eq3A_28 = arith.cmpi eq, %while3A_26, %eq3A_27 : vector<128x1xi32>
      %shift_right_arithmetic3A_29 = arith.constant 1 : i32
      %shift_right_arithmetic3A_30 = vector.broadcast %shift_right_arithmetic3A_29 : i32 to vector<128x1xi32>
      %shift_right_arithmetic3A_31 = arith.shrsi %while3A_23, %shift_right_arithmetic3A_30 : vector<128x1xi32>
      %shift_right_arithmetic3A_32 = arith.constant 1 : i32
      %shift_right_arithmetic3A_33 = vector.broadcast %shift_right_arithmetic3A_32 : i32 to vector<128x1xi32>
      %shift_right_arithmetic3A_34 = arith.shrsi %while3A_24, %shift_right_arithmetic3A_33 : vector<128x1xi32>
      %add3A_35 = arith.addi %shift_right_arithmetic3A_31, %shift_right_arithmetic3A_34 : vector<128x1xi32>
      %and3A_36 = arith.andi %while3A_23, %while3A_24 : vector<128x1xi32>
      %and3A_37 = arith.constant 1 : i32
      %and3A_38 = vector.broadcast %and3A_37 : i32 to vector<128x1xi32>
      %and3A_39 = arith.andi %and3A_36, %and3A_38 : vector<128x1xi32>
      %add3A_40 = arith.addi %add3A_35, %and3A_39 : vector<128x1xi32>
      %shift_right_arithmetic3A_41 = arith.constant 31 : i32
      %shift_right_arithmetic3A_42 = vector.broadcast %shift_right_arithmetic3A_41 : i32 to vector<128x1xi32>
      %shift_right_arithmetic3A_43 = arith.shrsi %add3A_40, %shift_right_arithmetic3A_42 : vector<128x1xi32>
      %and3A_44 = arith.constant 2147483647 : i32
      %and3A_45 = vector.broadcast %and3A_44 : i32 to vector<128x1xi32>
      %and3A_46 = arith.andi %shift_right_arithmetic3A_43, %and3A_45 : vector<128x1xi32>
      %xor3A_47 = arith.xori %add3A_40, %and3A_46 : vector<128x1xi32>
      %bitcast_convert_type3A_48 = tpu.bitcast %xor3A_47 : vector<128x1xi32> -> vector<128x1xf32>
      %ge3A = vector.broadcast %bitcast_convert_type3A_48 : vector<128x1xf32> to vector<128x8192xf32>
      %ge3A_49 = arith.cmpf oge, %get3A_1, %ge3A : vector<128x8192xf32>
      %convert_element_type3A_50 = arith.extui %ge3A_49 : vector<128x8192xi1> to vector<128x8192xi32>
      %convert_element_type3A_51 = arith.sitofp %convert_element_type3A_50 : vector<128x8192xi32> to vector<128x8192xf32>
      %reduce_sum3A_52 = arith.constant dense<0.000000e+00> : vector<128xf32>
      %reduce_sum3A_53 = vector.multi_reduction <add>, %convert_element_type3A_51, %reduce_sum3A_52 [1] : vector<128x8192xf32> to vector<128xf32>
      %broadcast_in_dim3A_54 = vector.shape_cast %reduce_sum3A_53 : vector<128xf32> to vector<128x1xf32>
      %eq3A_55 = arith.constant 2.458000e+03 : f32
      %eq3A_56 = vector.broadcast %eq3A_55 : f32 to vector<128x1xf32>
      %eq3A_57 = arith.cmpf oeq, %broadcast_in_dim3A_54, %eq3A_56 : vector<128x1xf32>
      %and3A_58 = arith.andi %eq3A_28, %eq3A_57 : vector<128x1xi1>
      %ge3A_59 = arith.constant 2.458000e+03 : f32
      %ge3A_60 = vector.broadcast %ge3A_59 : f32 to vector<128x1xf32>
      %ge3A_61 = arith.cmpf oge, %broadcast_in_dim3A_54, %ge3A_60 : vector<128x1xf32>
      %and3A_62 = arith.andi %eq3A_28, %ge3A_61 : vector<128x1xi1>
      %select_n3A_63 = arith.select %and3A_62, %add3A_40, %while3A_23 : vector<128x1xi1>, vector<128x1xi32>
      %not3A = arith.constant dense<true> : vector<128x1xi1>
      %not3A_64 = arith.xori %and3A_62, %not3A : vector<128x1xi1>
      %and3A_65 = arith.andi %eq3A_28, %not3A_64 : vector<128x1xi1>
      %select_n3A_66 = arith.select %and3A_65, %add3A_40, %while3A_24 : vector<128x1xi1>, vector<128x1xi32>
      %sub3A_67 = arith.subi %select_n3A_66, %select_n3A_63 : vector<128x1xi32>
      %le3A = arith.constant 1 : i32
      %le3A_68 = vector.broadcast %le3A : i32 to vector<128x1xi32>
      %le3A_69 = arith.cmpi sle, %sub3A_67, %le3A_68 : vector<128x1xi32>
      %or3A = arith.ori %and3A_58, %le3A_69 : vector<128x1xi1>
      %and3A_70 = arith.andi %eq3A_28, %or3A : vector<128x1xi1>
      %jit3A_71 = arith.constant 1 : i32
      %broadcast_in_dim3A_72 = vector.broadcast %jit3A_71 : i32 to vector<128x1xi32>
      %select_n3A_73 = arith.select %and3A_70, %broadcast_in_dim3A_72, %while3A_26 : vector<128x1xi1>, vector<128x1xi32>
      %select_n3A_74 = arith.select %and3A_58, %add3A_40, %select_n3A_63 : vector<128x1xi1>, vector<128x1xi32>
      %select_n3A_75 = arith.select %eq3A_28, %select_n3A_74, %while3A_25 : vector<128x1xi1>, vector<128x1xi32>
      scf.yield %select_n3A_63, %select_n3A_66, %select_n3A_75, %select_n3A_73 : vector<128x1xi32>, vector<128x1xi32>, vector<128x1xi32>, vector<128x1xi32>
    }
    %shift_right_arithmetic3A = arith.constant 31 : i32
    %shift_right_arithmetic3A_7 = vector.broadcast %shift_right_arithmetic3A : i32 to vector<128x1xi32>
    %shift_right_arithmetic3A_8 = arith.shrsi %while3A#2, %shift_right_arithmetic3A_7 : vector<128x1xi32>
    %and3A = arith.constant 2147483647 : i32
    %and3A_9 = vector.broadcast %and3A : i32 to vector<128x1xi32>
    %and3A_10 = arith.andi %shift_right_arithmetic3A_8, %and3A_9 : vector<128x1xi32>
    %xor3A = arith.xori %while3A#2, %and3A_10 : vector<128x1xi32>
    %bitcast_convert_type3A = tpu.bitcast %xor3A : vector<128x1xi32> -> vector<128x1xf32>
    %gt3A = vector.broadcast %bitcast_convert_type3A : vector<128x1xf32> to vector<128x8192xf32>
    %gt3A_11 = arith.cmpf ogt, %get3A_1, %gt3A : vector<128x8192xf32>
    %jit3A = arith.constant 0.000000e+00 : f32
    %broadcast_in_dim3A_12 = vector.broadcast %jit3A : f32 to vector<128x8192xf32>
    %select_n3A = arith.select %gt3A_11, %get3A_1, %broadcast_in_dim3A_12 : vector<128x8192xi1>, vector<128x8192xf32>
    %reduce_sum3A = arith.constant dense<0.000000e+00> : vector<128xf32>
    %reduce_sum3A_13 = vector.multi_reduction <add>, %select_n3A, %reduce_sum3A [1] : vector<128x8192xf32> to vector<128xf32>
    %broadcast_in_dim3A_14 = vector.shape_cast %reduce_sum3A_13 : vector<128xf32> to vector<128x1xf32>
    %convert_element_type3A = arith.extui %gt3A_11 : vector<128x8192xi1> to vector<128x8192xi32>
    %convert_element_type3A_15 = arith.sitofp %convert_element_type3A : vector<128x8192xi32> to vector<128x8192xf32>
    %reduce_sum3A_16 = arith.constant dense<0.000000e+00> : vector<128xf32>
    %reduce_sum3A_17 = vector.multi_reduction <add>, %convert_element_type3A_15, %reduce_sum3A_16 [1] : vector<128x8192xf32> to vector<128xf32>
    %broadcast_in_dim3A_18 = vector.shape_cast %reduce_sum3A_17 : vector<128xf32> to vector<128x1xf32>
    %sub3A = arith.constant 2.458000e+03 : f32
    %sub3A_19 = vector.broadcast %sub3A : f32 to vector<128x1xf32>
    %sub3A_20 = arith.subf %sub3A_19, %broadcast_in_dim3A_18 : vector<128x1xf32>
    %mul3A = arith.mulf %sub3A_20, %bitcast_convert_type3A : vector<128x1xf32>
    %add3A = arith.addf %broadcast_in_dim3A_14, %mul3A : vector<128x1xf32>
    %swap3A = arith.constant 0 : index
    %swap3A_21 = arith.constant 0 : index
    %swap3A_22 = vector.load %arg2[%swap3A, %swap3A_21] : memref<128x1xf32, #tpu.memory_space<vmem>>, vector<128x1xf32>
    tpu.vector_store %arg2[%swap3A, %swap3A_21], %add3A {strides = array<i32>} : memref<128x1xf32, #tpu.memory_space<vmem>>, vector<128x1xf32>,
    return
  }
  func.func @transform_0(%arg0: i32) -> (i32, i32) {
    %add3A = arith.constant 5 : i32
    %add3A_0 = arith.addi %add3A, %arg0 : i32
    %c0_i32 = arith.constant 0 : i32
    %c0_i32_1 = arith.constant 0 : i32
    return %add3A_0, %c0_i32 : i32, i32
  }
  func.func @transform_1(%arg0: i32) -> (i32, i32) {
    %c0_i32 = arith.constant 0 : i32
    %c0_i32_0 = arith.constant 0 : i32
    return %arg0, %c0_i32 : i32, i32
  }
}

</mosaic_0001>

<sc_bundles>
// kernel: kernel.5.cloned.1.call-start
scs
__scs_entry_jumppad:
0x0: {  	(pc) =	sbr.rel $0x88, $3  }
0x1: {  	(tag) =	ssettag $0x0;
	lr =	simm.s32 $0x1  }
0x2: {  	[smem:$0x3FA0] =	sst lr;
	_ =	strace $0xD0000000  }
0x3: {  	_ = 	snop  }
0x4: {  	_ = 	snop  }
0x5: {  	_ = 	snop  }
0x6: {  	_ = 	snop  }
0x7: {  	_ = 	snop  }
__scs_overlays_trampoline_lowered:
0x8: {  	[smem:$0x3FAF] =	sst s0  }
0x9: {  	[smem:$0x3FB0] =	sst s1  }
0xa: {  	[smem:$0x3FB1] =	sst s2  }
0xb: {  	[smem:$0x3FB2] =	sst s3  }
0xc: {  	[smem:$0x3FB3] =	sst s4  }
0xd: {  	[smem:$0x3FB4] =	sst s5  }
0xe: {  	[smem:$0x3FB5] =	sst s6  }
0xf: {  	[smem:$0x3FB6] =	sst s7  }
0x10: {  	[smem:$0x3FB7] =	sst s8  }
0x11: {  	[smem:$0x3FB8] =	sst s9;
	s0 =	simm.s32 @!p0 $0x0  }
0x12: {  	s1 =	sld [smem:$0x3F9E];
	s0 =	simm.s32 @p0 $0x1  }
0x13: {  	[smem:$0x3FB9] =	sst s0;
	s0 =	simm.s32 @!p1 $0x0  }
0x14: {  	s2 =	sld [smem:$0x3F9D];
	s0 =	simm.s32 @p1 $0x1  }
0x15: {  	[smem:$0x3FBA] =	sst s0;
	s0 =	simm.s32 @!p2 $0x0  }
0x16: {  	s3 =	sld [smem:$0x3FDB];
	s0 =	simm.s32 @p2 $0x1  }
0x17: {  	s4 =	simm.s32 $0x1BF5;
	[smem:$0x3FBC] =	sst s0  }
0x18: {  	s0 =	sld [smem:$0x3F9F];
	_ =	swait.ge [sflag:s4], $0x0  }
0x19: {  	s7 =	sld [smem:$0x3FA0]  }
0x1a: {  	s8 =	sadd.s32 $0xFFFFE003, lr  }
0x1b: {  	s9 =	sadd.s32 $0xFFFFFEF7, lr;
	s5 =	simm.s32 $0xFFFFFFFF;
	p2 =	slt.u32 s8, $0xFFFFF086  }
0x1c: {  	p1 =	slt.u32 s9, $0xF7A;
	s5 =	simm.s32 @!p2 $0x0  }
0x1d: {  	s5 =	simm.s32 @p1 $0x1;
	p0 =	seq.s32 s7, s2  }
0x1e: {  	s7 =	smul.u32 @!p0 $0xF7A, s2;
	p2 =	seq.s32 @!p0 s5, $0x0  }
0x1f: {  	s9 =	smul.u32 $0xF7A, s1;
	s8 =	simm.s32 @!p0 $0x1BF5;
	p2 =	por !p2, p0  }
0x20: {  	[sflag:s8] =	ssyncset.s32 @!p0 $0xFFFFF086;
	s6 =	sadd.s32 @!p0 s3, s7;
	s7 =	simm.s32 @!p0 $0x108  }
0x21: {  	s3 =	sadd.s32 s3, s9;
	s6 =	sadd.s32 @!p0 $0x88, s6;
	s7 =	simm.s32 @p2 $0x1082  }
0x22: {  	[simem:s7], [sflag:s8] =	dma.local @!p0 [hbm:s6], $0xF7A  }
0x23: {  	s9 =	sor.u32 $0xD0000000, s2;
	s6 =	simm.s32 $0x108;
	_ =	swait.ge @!p0 [sflag:s8], $0x0  }
0x24: {  	s3 =	sadd.s32 $0x88, s3;
	s6 =	simm.s32 @!p1 $0x1082;
	[sflag:s4] =	ssyncset.s32 $0xFFFFF086  }
0x25: {  	[simem:s6], [sflag:s4] =	dma.local [hbm:s3], $0xF7A  }
0x26: {  	[smem:$0x3FA0] =	sst s1;
	(tag) =	ssettag s2;
	_ =	strace s9  }
0x27: {  	s1 =	sld [smem:$0x3FB0]  }
0x28: {  	s2 =	sld [smem:$0x3FB1]  }
0x29: {  	s4 =	sld [smem:$0x3FB3]  }
0x2a: {  	p0 =	seq.s32 s5, $0x0;
	s5 =	sld [smem:$0x3FB4]  }
0x2b: {  	s6 =	sld [smem:$0x3FB5]  }
0x2c: {  	s7 =	sld [smem:$0x3FB6]  }
0x2d: {  	s3 =	simm.s32 $0x108;
	s8 =	sld [smem:$0x3FB7]  }
0x2e: {  	s3 =	simm.s32 @!p0 $0x1082;
	s9 =	sld [smem:$0x3FB8]  }
0x2f: {  	lr =	sadd.s32 s0, s3;
	s0 =	sld [smem:$0x3FAF]  }
0x30: {  	s3 =	sld [smem:$0x3FB2]  }
0x31: {  	[smem:$0x3FBB] =	sst s10  }
0x32: {  	s10 =	sld [smem:$0x3FB9];
	_ =	sdelay $0x3  }
0x33: {  	p0 =	seq.s32 s10, $0x1;
	s10 =	sld [smem:$0x3FBB];
	_ =	sdelay $0x3  }
0x34: {  	[smem:$0x3FBB] =	sst s10  }
0x35: {  	s10 =	sld [smem:$0x3FBA];
	_ =	sdelay $0x3  }
0x36: {  	p1 =	seq.s32 s10, $0x1;
	s10 =	sld [smem:$0x3FBB];
	_ =	sdelay $0x3  }
0x37: {  	[smem:$0x3FBB] =	sst s10  }
0x38: {  	s10 =	sld [smem:$0x3FBC]  }
0x39: {  	_ = 	snop;
	(pc) =	sbr.ind lr, $3  }
0x3a: {  	_ = 	snop  }
0x3b: {  	_ = 	snop  }
0x3c: {  	p2 =	seq.s32 s10, $0x1;
	s10 =	sld [smem:$0x3FBB]  }
0x3d: {  	_ =	shalt  }
0x3e: {  	_ =	shalt  }
0x3f: {  	_ =	shalt  }
0x40: {  	_ =	shalt  }
0x41: {  	_ =	shalt  }
0x42: {  	_ =	shalt  }
0x43: {  	_ =	shalt  }
0x44: {  	_ =	shalt  }
0x45: {  	_ =	shalt  }
0x46: {  	_ =	shalt  }
0x47: {  	_ =	shalt  }
0x48: {  	_ =	shalt  }
0x49: {  	_ =	shalt  }
0x4a: {  	_ =	shalt  }
0x4b: {  	_ =	shalt  }
0x4c: {  	_ =	shalt  }
0x4d: {  	_ =	shalt  }
0x4e: {  	_ =	shalt  }
0x4f: {  	_ =	shalt  }
0x50: {  	_ =	shalt  }
0x51: {  	_ =	shalt  }
0x52: {  	_ =	shalt  }
0x53: {  	_ =	shalt  }
0x54: {  	_ =	shalt  }
0x55: {  	_ =	shalt  }
0x56: {  	_ =	shalt  }
0x57: {  	_ =	shalt  }
0x58: {  	_ =	shalt  }
0x59: {  	_ =	shalt  }
0x5a: {  	_ =	shalt  }
0x5b: {  	_ =	shalt  }
0x5c: {  	_ =	shalt  }
0x5d: {  	_ =	shalt  }
0x5e: {  	_ =	shalt  }
0x5f: {  	_ =	shalt  }
0x60: {  	_ =	shalt  }
0x61: {  	_ =	shalt  }
0x62: {  	_ =	shalt  }
0x63: {  	_ =	shalt  }
0x64: {  	_ =	shalt  }
0x65: {  	_ =	shalt  }
0x66: {  	_ =	shalt  }
0x67: {  	_ =	shalt  }
0x68: {  	_ =	shalt  }
0x69: {  	_ =	shalt  }
0x6a: {  	_ =	shalt  }
0x6b: {  	_ =	shalt  }
0x6c: {  	_ =	shalt  }
0x6d: {  	_ =	shalt  }
0x6e: {  	_ =	shalt  }
0x6f: {  	_ =	shalt  }
0x70: {  	_ =	shalt  }
0x71: {  	_ =	shalt  }
0x72: {  	_ =	shalt  }
0x73: {  	_ =	shalt  }
0x74: {  	_ =	shalt  }
0x75: {  	_ =	shalt  }
0x76: {  	_ =	shalt  }
0x77: {  	_ =	shalt  }
0x78: {  	_ =	shalt  }
0x79: {  	_ =	shalt  }
0x7a: {  	_ =	shalt  }
0x7b: {  	_ =	shalt  }
0x7c: {  	_ =	shalt  }
0x7d: {  	_ =	shalt  }
0x7e: {  	_ =	shalt  }
0x7f: {  	_ =	shalt  }
0x80: {  	_ =	shalt  }
0x81: {  	_ =	shalt  }
0x82: {  	_ =	shalt  }
0x83: {  	_ =	shalt  }
0x84: {  	_ =	shalt  }
0x85: {  	_ =	shalt  }
0x86: {  	_ =	shalt  }
0x87: {  	_ =	shalt  }
.Lfunc_end0:
.L_simem_size_0:
called_computation_lowered:
.L_overlay_start_0:
0x88: {  	s2 =	sld [smem:$0x3FD9]  }
0x89: {  	s3 =	sld [smem:$0x3FFE];
	_ =	sdelay $0x1  }
0x8a: {  	s1 =	srdreg.scid  }
0x8b: {  	s0 =	sand.u32 $0x1, s1  }
0x8c: {  	s17 =	sshll.u32 s0, $0xA;
	s2 =	sadd.s32 s3, s2  }
0x8d: {  	s2 =	sadd.s32 s2, s17  }
0x8e: {  	[smem:$0x3FC7] =	sst s2  }
0x8f: {  	_ = 	snop  }
0x90: {  	s2 =	sld [smem:$0x3FC9];
	(tm) =	ssettm $0x1  }
0x91: {  	s18 =	sld [smem:$0x3FFB];
	_ =	sdelay $0x3  }
0x92: {  	_ =	strace s18  }
0x93: {  	s3 =	sld [smem:$0x3FFC];
	_ =	sdelay $0x3  }
0x94: {  	_ =	strace s3  }
0x95: {  	s3 =	sld [smem:$0x3FFD];
	_ =	sdelay $0x3  }
0x96: {  	_ =	strace s3  }
0x97: {  	_ =	strace $0x8FFFFFFF  }
0x98: {  	s19 =	sld [smem:$0x3FDB];
	_ =	sdelay $0x1  }
0x99: {  	s4 =	simm.s32 $_scs_section_size  }
0x9a: {  	s5 =	simm.s32 $_size__tile_overlayer_lowered;
	s6 =	simm.s32 $_tile_overlayer_lowered  }
0x9b: {  	s22 =	simm.s32 $0x1BFF;
	s21 =	sshll.u32 s6, $0x1;
	s3 =	sadd.s32 s4, s19  }
0x9c: {  	s7 =	simm.s32 $0x0;
	s20 =	sshll.u32 s5, $0x1;
	s5 =	sadd.s32 s21, s3  }
0x9d: {  	[timem:s7], [sflag:s22] =	dma.local [hbm:s5], s20  }
0x9e: {  	_ =	swait.ge [sflag:s22], s20  }
0x9f: {  	s4 =	ssub.s32 $0x0, s20;
	[sflag:s22] =	ssyncset.done $0x0  }
0xa0: {  	[sflag:s22] =	ssyncadd.s32 s4;
	_ =	sdelay $0x1  }
0xa1: {  	s23 =	simm.s32 $0x1B8B  }
0xa2: {  	_ =	swait.ge [sflag:s23], $0x1  }
0xa3: {  	[sflag:s23] =	ssyncset.done $0x0  }
0xa4: {  	s25 =	simm.s32 $0x1B8E;
	s24 =	sld [smem:$0x3FFE];
	[sflag:s23] =	ssyncadd.s32 $0xFFFFFFFF  }
0xa5: {  	s26 =	simm.s32 $execute0_lowered;
	[smem:$0x3FD2] =	sst s25  }
0xa6: {  	s5 =	sshll.u32 s26, $0x1;
	_ =	strace $0x80000046;
	[dreg:$0x1] =	wrdreg $0xFFFFFFFF  }
0xa7: {  	s28 =	simm.s32 $_size_execute0_lowered;
	s3 =	sadd.s32 s3, s5;
	[dreg:$0x0] =	wrdreg $0x0  }
0xa8: {  	s5 =	sshll.u32 s28, $0x1;
	[dreg:$0x2] =	wrdreg s3  }
0xa9: {  	[dreg:$0x3] =	wrdreg s5  }
0xaa: {  	[dreg:$0x4] =	wrdreg $0xC0  }
0xab: {  	_ =	task [dreg:s7], $0x5FFFF  }
0xac: {  	[dreg:$0x1] =	wrdreg $0xFFFFFFFF  }
0xad: {  	[dreg:$0x0] =	wrdreg $0x60  }
0xae: {  	[dreg:$0x2] =	wrdreg s2  }
0xaf: {  	[dreg:$0x3] =	wrdreg s24  }
0xb0: {  	[dreg:$0x4] =	wrdreg $0x9  }
0xb1: {  	_ =	task.clear_ibuf [dreg:s7], $0x5FFFF;
	_ =	strace $0x90000046  }
0xb2: {  	s29 =	simm.s32 $0x9;
	_ =	strace $0x80000048  }
0xb3: {  	_ =	swait.ge [sflag:s29], $0x1  }
0xb4: {  	[sflag:s29] =	ssyncadd.s32 $0xFFFFFFFF  }
0xb5: {  	_ =	strace $0x90000048  }
0xb6: {  	_ =	sfence  }
0xb7: {  	s30 =	sld [smem:$0x0];
	_ =	sdelay $0x2  }
0xb8: {  	s31 =	sshll.u32 s1, $0xD;
	s1 =	sshrl.u32 s1, $0x2  }
0xb9: {  	s3 =	sand.u32 $0x4000, s31;
	s1 =	sadd.s32 s1, s30  }
0xba: {  	s0 =	sor.u32 s3, s0;
	s1 =	sshll.u32 s1, $0x11  }
0xbb: {  	s0 =	sor.u32 s1, s0  }
0xbc: {  	s0 =	sadd.s32 $0x8F2B, s0  }
0xbd: {  	[sflag:s0] =	ssyncadd.remote.s32 $0x1  }
0xbe: {  	_ =	sfence.sel $0xFFFF  }
0xbf: {  	[dreg:$0x0] =	wrdreg $0xFFFFFFFF;
	(pc) =	sbr.abs _section_cstart, $3  }
0xc0: {  	[dreg:$0x1] =	wrdreg $0xFFFFFFFF  }
0xc1: {  	_ =	task.clear_ibuf [dreg:s7], $0x2FFFF;
	_ =	strace $0x9FFFFFFF  }
0xc2: {  	(tm) =	ssettm $0x7FFFFFFF  }
0xc3: {  	_ =	shalt  }
tec
execute0_lowered:
.L_overlay_start_1:
0x0: {  	(tag) =	ssettag $0x1  }
0x1: {  	s2 =	rddreg [dreg:$0x0]  }
0x2: {  	s1 =	srdreg.scid;
	s0 =	stileid.u32  }
0x3: {  	s4 =	rddreg [dreg:$0x1];
	s3 =	simm.s32 $0x0;
	s9 =	simm.s32 $0x1  }
0x4: {  	s10 =	simm.s32 $0x2000;
	s5 =	sand.u32 $0x1, s1;
	s6 =	sshll.u32 s0, $0x1  }
0x5: {  	s11 =	simm.s32 $0x0;
	s1 =	rddreg [dreg:$0x2];
	s6 =	sor.u32 s5, s6  }
0x6: {  	[smem:$0x7FF] =	sst s3;
	s5 =	ssub.s32 $0x2, s5;
	s7 =	sshll.u32 s6, $0x4  }
0x7: {  	_ =	strace $0x80000047;
	s31 =	sshrl.u32 s5, $0x1;
	s7 =	sadd.s32 s7, s4  }
0x8: {  	s8 =	ssub.s32 s5, s31;
	s4 =	smul.u32 $0x14, s6;
	s5 =	sadd.s32 $0x600, s7  }
0x9: {  	v0 =	vimm.s32 $0x0;
	s6 =	smax.u32 s8, $0x1;
	s7 =	simm.s32 $0x80;
	s8 =	simm.s32 $0x400  }
.LBB2_1:
0xa: {  	v1 =	vimm.f32 $0.0e+00;
	s12 =	simm.s32 $0x0  }
.LBB2_2:
0xb: {  	s13 =	sadd.s32 s4, s12  }
0xc: {  	s14 =	sshll.u32 s13, $0x4  }
0xd: {  	s13 =	sshll.u32 s13, $0xA;
	s14 =	sand.u32 $0x70, s14  }
0xe: {  	s13 =	sand.u32 $0xFFFE000, s13;
	s14 =	sadd.s32 s2, s14  }
.Ltmp0:
0xf: {  	s14 =	sadd.s32 s13, s14;
	s13 =	simm.s32 $0x0;
	(pc) =	sbr.rel .LBB2_3-.Ltmp0, $4  }
0x10: {  	[tilespmem:s13], [sflag:$0x1] =	stream.strided.gather [hbm4b:s14+s7], $0x2000, s8, s7, $0x38;
	[tilespmem:$0x2080] =	vst v63  }
0x11: {  	_ =	swait.ge [sflag:s9], $0x2000  }
0x12: {  	s15 =	simm.s32 $0x7F800000;
	p0 =	por $0x0, $0x0;
	[sflag:s9] =	ssyncset.done $0x0  }
0x13: {  	s17 =	simm.s32 $0x807FFFFF;
	s14 =	simm.s32 $0x807FFFFF;
	[sflag:s9] =	ssyncadd.s32 $0xFFFFE000  }
.LBB2_6:
0x14: {  	v10 =	vld [tilespmem:s18+$0x0];
	v8 =	vadd.s32 v9, v8;
	v56 =	vsel vm0, $0x1, v0;
	vm4 =	vge.f32 v6, v2  }
0x15: {  	v6 =	vld [tilespmem:s18+$0x10];
	vm5 =	vge.f32 v5, v2;
	v8 =	vadd.s32 v56, v8;
	v57 =	vsel vm4, $0x1, v0  }
0x16: {  	v5 =	vld [tilespmem:s18+$0x20];
	vm6 =	vge.f32 v3, v2;
	v58 =	vsel vm5, $0x1, v0;
	v8 =	vadd.s32 v57, v8  }
0x17: {  	v3 =	vld [tilespmem:s18+$0x30];
	vm7 =	vge.f32 v4, v2;
	v59 =	vsel vm6, $0x1, v0;
	v8 =	vadd.s32 v58, v8  }
0x18: {  	v4 =	vld [tilespmem:s18+$0x40];
	vm8 =	vge.f32 v7, v2;
	v60 =	vsel vm7, $0x1, v0;
	v8 =	vadd.s32 v59, v8  }
0x19: {  	v7 =	vld [tilespmem:s18+$0x50];
	v61 =	vsel vm8, $0x1, v0;
	vm1 =	vge.f32 v10, v2;
	v8 =	vadd.s32 v60, v8  }
0x1a: {  	vm9 =	vge.f32 v6, v2;
	v6 =	vld [tilespmem:s18+$0x60];
	v10 =	vsel vm1, $0x1, v0;
	v8 =	vadd.s32 v61, v8  }
0x1b: {  	vm10 =	vge.f32 v5, v2;
	v5 =	vld [tilespmem:s18+$0x70];
	v62 =	vsel vm9, $0x1, v0;
	v8 =	vadd.s32 v10, v8  }
0x1c: {  	vm11 =	vge.f32 v3, v2;
	v63 =	vsel vm10, $0x1, v0;
	v8 =	vadd.s32 v62, v8  }
0x1d: {  	vm12 =	vge.f32 v4, v2;
	v3 =	vadd.s32 v63, v8;
	v8 =	vsel vm11, $0x1, v0  }
0x1e: {  	vm13 =	vge.f32 v7, v2;
	v4 =	vsel vm12, $0x1, v0;
	v3 =	vadd.s32 v8, v3  }
0x1f: {  	vm14 =	vge.f32 v6, v2;
	v3 =	vadd.s32 v4, v3;
	v4 =	vsel vm13, $0x1, v0  }
0x20: {  	vm15 =	vge.f32 v5, v2;
	v3 =	vadd.s32 v4, v3;
	v4 =	vsel vm14, $0x1, v0  }
0x21: {  	v2 =	vadd.s32 v4, v3;
	v3 =	vsel vm15, $0x1, v0  }
0x22: {  	v7 =	vadd.s32 v3, v2  }
.LBB2_7:
0x23: {  	(v2sf) =	vpush v7, $0x0  }
0x24: {  	(v2sf) =	vpush v7, $0x1  }
0x25: {  	(v2sf) =	vpush v7, $0x2  }
0x26: {  	(v2sf) =	vpush v7, $0x3  }
0x27: {  	(v2sf) =	vpush v7, $0x4  }
0x28: {  	(v2sf) =	vpush v7, $0x5  }
0x29: {  	(v2sf) =	vpush v7, $0x6  }
0x2a: {  	(v2sf) =	vpush v7, $0x7  }
0x2b: {  	(v2sf) =	vpush v7, $0x8  }
0x2c: {  	(v2sf) =	vpush v7, $0x9  }
0x2d: {  	(v2sf) =	vpush v7, $0xA  }
0x2e: {  	(v2sf) =	vpush v7, $0xB  }
0x2f: {  	(v2sf) =	vpush v7, $0xC  }
0x30: {  	(v2sf) =	vpush v7, $0xD  }
0x31: {  	(v2sf) =	vpush v7, $0xE  }
0x32: {  	s18 =	spop (v2sf);
	(v2sf) =	vpush v7, $0xF  }
0x33: {  	s19 =	spop (v2sf)  }
0x34: {  	s20 =	spop (v2sf);
	s18 =	sadd.s32 s19, s18  }
0x35: {  	s29 =	spop (v2sf);
	s18 =	sadd.s32 s20, s18  }
0x36: {  	s30 =	spop (v2sf);
	s18 =	sadd.s32 s29, s18  }
0x37: {  	s31 =	spop (v2sf);
	s18 =	sadd.s32 s30, s18  }
0x38: {  	s21 =	spop (v2sf);
	s18 =	sadd.s32 s31, s18  }
0x39: {  	s22 =	spop (v2sf);
	s18 =	sadd.s32 s21, s18  }
0x3a: {  	s23 =	spop (v2sf);
	s18 =	sadd.s32 s22, s18  }
0x3b: {  	s24 =	spop (v2sf);
	s18 =	sadd.s32 s23, s18  }
0x3c: {  	s25 =	spop (v2sf);
	s18 =	sadd.s32 s24, s18  }
0x3d: {  	s26 =	spop (v2sf);
	s18 =	sadd.s32 s25, s18  }
0x3e: {  	s28 =	spop (v2sf);
	s18 =	sadd.s32 s26, s18  }
0x3f: {  	s29 =	spop (v2sf);
	s18 =	sadd.s32 s28, s18  }
0x40: {  	s30 =	spop (v2sf);
	s18 =	sadd.s32 s29, s18  }
0x41: {  	s18 =	sadd.s32 s30, s18;
	s31 =	spop (v2sf)  }
0x42: {  	s19 =	smov.u32 s16;
	s18 =	sadd.s32 s31, s18  }
0x43: {  	s20 =	smov.u32 s16;
	p1 =	sgt.s32 s18, $0x999;
	p2 =	slt.s32 s18, $0x99A  }
0x44: {  	s19 =	smov.u32 @p2 s17;
	s20 =	smov.u32 @p1 s15  }
0x45: {  	s19 =	smov.u32 @p0 s17;
	s20 =	smov.u32 @p0 s15  }
0x46: {  	s15 =	ssub.s32 s20, s19  }
0x47: {  	p1 =	seq.s32 s18, $0x99A;
	p5 =	slt.s32 s15, $0x2  }
0x48: {  	s13 =	sadd.s32 $0x1, s13;
	p2 =	por p1, p5  }
0x49: {  	p6 =	por p0, p2;
	p2 =	sne.s32 s13, $0x21  }
.Ltmp1:
0x4a: {  	_ = 	snop;
	(pc) =	sbr.rel @!p2 .LBB2_8-.Ltmp1, $4  }
0x4b: {  	s16 =	smov.u32 @p0 s19;
	s18 =	smov.u32 s19  }
0x4c: {  	s18 =	smov.u32 @p1 s16  }
0x4d: {  	s17 =	smov.u32 s19;
	s18 =	smov.u32 @p0 s14  }
0x4e: {  	s15 =	smov.u32 s20;
	s14 =	smov.u32 s18;
	p0 =	por p6, p6  }
.LBB2_3:
.Ltmp2:
0x4f: {  	(pc) =	sbr.rel @p0 .LBB2_7-.Ltmp2, $4  }
0x50: {  	_ = 	snop  }
0x51: {  	s16 =	sxor.u32 s15, s17  }
0x52: {  	s18 =	sand.u32 s15, s17;
	s16 =	sshra.s32 s16, $0x1  }
0x53: {  	v7 =	vimm.s32 $0x0;
	s16 =	sadd.s32 s16, s18  }
0x54: {  	s20 =	simm.s32 $0x0  }
0x55: {  	v3 =	vld [tilespmem:s20+$0x0]  }
0x56: {  	v2 =	vmov s16;
	v4 =	vld [tilespmem:s20+$0x10]  }
0x57: {  	v2 =	vshra.s32 v2, $0x1F;
	v10 =	vld [tilespmem:s20+$0x20]  }
0x58: {  	v6 =	vld [tilespmem:s20+$0x30];
	v2 =	vand.u32 $0x7FFFFFFF, v2  }
0x59: {  	v5 =	vld [tilespmem:s20+$0x40];
	v2 =	vxor.u32 s16, v2  }
0x5a: {  	vm0 =	vge.f32 v3, v2;
	v3 =	vld [tilespmem:s20+$0x50]  }
0x5b: {  	v8 =	vsel vm0, $0x1, v0;
	vm0 =	vge.f32 v4, v2;
	v4 =	vld [tilespmem:s20+$0x60]  }
0x5c: {  	s18 =	simm.s32 $0x80;
	s19 =	simm.s32 $0x400;
	v8 =	vadd.s32 v8, v7;
	v9 =	vsel vm0, $0x1, v0;
	vm0 =	vge.f32 v10, v2;
	v7 =	vld [tilespmem:s20+$0x70]  }
.LBB2_5:
0x5d: {  	p1 =	sne.s32 s19, $0x7E00;
	v10 =	vld [tilespmem:s18+$0x0];
	v8 =	vadd.s32 v9, v8;
	v9 =	vsel vm0, $0x1, v0;
	vm0 =	vge.f32 v6, v2  }
0x5e: {  	v11 =	vld [tilespmem:s18+$0x10];
	v6 =	vadd.s32 v9, v8;
	v8 =	vsel vm0, $0x1, v0;
	vm0 =	vge.f32 v5, v2  }
0x5f: {  	v12 =	vld [tilespmem:s18+$0x20];
	v5 =	vadd.s32 v8, v6;
	v8 =	vsel vm0, $0x1, v0;
	vm0 =	vge.f32 v3, v2  }
.Ltmp3:
0x60: {  	v6 =	vld [tilespmem:s18+$0x30];
	v3 =	vadd.s32 v8, v5;
	v8 =	vsel vm0, $0x1, v0;
	vm0 =	vge.f32 v4, v2;
	(pc) =	sbr.rel @p1 .LBB2_5-.Ltmp3, $4  }
0x61: {  	v5 =	vld [tilespmem:s18+$0x40];
	v4 =	vadd.s32 v8, v3;
	v8 =	vsel vm0, $0x1, v0;
	vm0 =	vge.f32 v7, v2  }
0x62: {  	vm1 =	vge.f32 v10, v2;
	v3 =	vld [tilespmem:s18+$0x50];
	v7 =	vadd.s32 v8, v4;
	v8 =	vsel vm0, $0x1, v0  }
0x63: {  	v9 =	vsel vm1, $0x1, v0;
	vm0 =	vge.f32 v11, v2;
	v4 =	vld [tilespmem:s18+$0x60];
	v7 =	vadd.s32 v8, v7  }
0x64: {  	v8 =	vadd.s32 v9, v7;
	v9 =	vsel vm0, $0x1, v0;
	vm0 =	vge.f32 v12, v2;
	v7 =	vld [tilespmem:s18+$0x70];
	s18 =	sshra.s32 s19, $0x2;
	s19 =	sadd.s32 $0x200, s19  }
.Ltmp4:
0x65: {  	_ = 	snop;
	(pc) =	sbr.rel .LBB2_6-.Ltmp4, $1  }
0x66: {  	_ =	sdelay $0x3  }
.LBB2_8:
0x67: {  	s13 =	simm.s32 $0x0  }
0x68: {  	v5 =	vld [tilespmem:s13+$0x0]  }
0x69: {  	v2 =	vmov s18  }
0x6a: {  	v2 =	vshra.s32 v2, $0x1F;
	v6 =	vld [tilespmem:s13+$0x10]  }
0x6b: {  	v3 =	vld [tilespmem:s13+$0x70];
	v2 =	vand.u32 $0x7FFFFFFF, v2  }
0x6c: {  	v7 =	vld [tilespmem:s13+$0x20];
	v2 =	vxor.u32 s18, v2  }
0x6d: {  	v9 =	vld [tilespmem:s13+$0x30];
	vm4 =	vgt.f32 v5, v2  }
0x6e: {  	v8 =	vimm.f32 $0.0e+00;
	v4 =	vld [tilespmem:s13+$0x60];
	v5 =	vnsel vm4, $0x0, v5  }
0x6f: {  	v10 =	vld [tilespmem:s13+$0x40];
	vm5 =	vgt.f32 v6, v2;
	v8 =	vadd.f32 v5, v8  }
0x70: {  	v6 =	vnsel vm5, $0x0, v6;
	v5 =	vld [tilespmem:s13+$0x50]  }
0x71: {  	vm6 =	vgt.f32 v7, v2;
	v6 =	vadd.f32 v6, v8  }
0x72: {  	vm3 =	vgt.f32 v9, v2;
	v7 =	vnsel vm6, $0x0, v7  }
0x73: {  	vm0 =	vgt.f32 v3, v2;
	vm1 =	vgt.f32 v4, v2;
	v6 =	vadd.f32 v7, v6  }
0x74: {  	v8 =	vimm.s32 $0x0;
	v7 =	vnsel vm3, $0x0, v9;
	v9 =	vsel vm4, $0x1, v0  }
0x75: {  	vm4 =	vgt.f32 v10, v2;
	vm2 =	vgt.f32 v5, v2;
	v6 =	vadd.f32 v7, v6  }
0x76: {  	v7 =	vadd.s32 v9, v8;
	v8 =	vsel vm5, $0x1, v0;
	v9 =	vnsel vm4, $0x0, v10  }
0x77: {  	s14 =	simm.s32 $0x80;
	s13 =	simm.s32 $0x400;
	v7 =	vadd.s32 v8, v7;
	v8 =	vsel vm6, $0x1, v0;
	v6 =	vadd.f32 v9, v6  }
.LBB2_9:
0x78: {  	p0 =	sne.s32 s13, $0x7E00;
	v9 =	vld [tilespmem:s14+$0x0];
	v7 =	vadd.s32 v8, v7;
	v8 =	vsel vm3, $0x1, v0;
	v5 =	vnsel vm2, $0x0, v5  }
0x79: {  	v7 =	vadd.s32 v8, v7;
	v8 =	vsel vm4, $0x1, v0;
	v5 =	vadd.f32 v5, v6  }
0x7a: {  	v4 =	vnsel vm1, $0x0, v4;
	v6 =	vld [tilespmem:s14+$0x10];
	v7 =	vadd.s32 v8, v7;
	v8 =	vsel vm2, $0x1, v0  }
0x7b: {  	v10 =	vld [tilespmem:s14+$0x70];
	v7 =	vadd.s32 v8, v7;
	v5 =	vadd.f32 v4, v5;
	v4 =	vsel vm1, $0x1, v0  }
0x7c: {  	v3 =	vnsel vm0, $0x0, v3;
	v11 =	vsel vm0, $0x1, v0;
	v8 =	vld [tilespmem:s14+$0x20];
	v7 =	vadd.s32 v4, v7  }
0x7d: {  	vm4 =	vgt.f32 v9, v2;
	v4 =	vld [tilespmem:s14+$0x60];
	v13 =	vadd.f32 v3, v5;
	v7 =	vadd.s32 v11, v7  }
0x7e: {  	v5 =	vnsel vm4, $0x0, v9;
	v9 =	vld [tilespmem:s14+$0x30]  }
0x7f: {  	v11 =	vadd.f32 v5, v13;
	vm5 =	vgt.f32 v6, v2;
	v5 =	vld [tilespmem:s14+$0x50]  }
0x80: {  	v6 =	vnsel vm5, $0x0, v6;
	v12 =	vld [tilespmem:s14+$0x40];
	v3 =	vmov v10  }
0x81: {  	v6 =	vadd.f32 v6, v11;
	vm6 =	vgt.f32 v8, v2  }
0x82: {  	v8 =	vnsel vm6, $0x0, v8  }
.Ltmp5:
0x83: {  	vm0 =	vgt.f32 v3, v2;
	v6 =	vadd.f32 v8, v6;
	vm3 =	vgt.f32 v9, v2;
	(pc) =	sbr.rel @p0 .LBB2_9-.Ltmp5, $4  }
0x84: {  	vm1 =	vgt.f32 v4, v2;
	v8 =	vnsel vm3, $0x0, v9;
	vm2 =	vgt.f32 v5, v2  }
0x85: {  	v9 =	vsel vm4, $0x1, v0;
	v6 =	vadd.f32 v8, v6;
	vm4 =	vgt.f32 v12, v2  }
0x86: {  	v7 =	vadd.s32 v9, v7;
	v8 =	vsel vm5, $0x1, v0;
	v9 =	vnsel vm4, $0x0, v12  }
0x87: {  	s14 =	sshra.s32 s13, $0x2;
	s13 =	sadd.s32 $0x200, s13;
	v7 =	vadd.s32 v8, v7;
	v8 =	vsel vm6, $0x1, v0;
	v6 =	vadd.f32 v9, v6  }
0x88: {  	v9 =	vld [tilespmem:s14+$0x0]  }
0x89: {  	v7 =	vadd.s32 v8, v7;
	v43 =	vsel vm3, $0x1, v0;
	v10 =	vld [tilespmem:s14+$0x10]  }
0x8a: {  	v44 =	vsel vm4, $0x1, v0;
	v11 =	vld [tilespmem:s14+$0x20];
	v7 =	vadd.s32 v43, v7  }
0x8b: {  	v45 =	vsel vm2, $0x1, v0;
	v12 =	vld [tilespmem:s14+$0x30];
	v7 =	vadd.s32 v44, v7  }
0x8c: {  	v46 =	vsel vm1, $0x1, v0;
	v13 =	vld [tilespmem:s14+$0x40];
	v7 =	vadd.s32 v45, v7  }
0x8d: {  	v47 =	vsel vm0, $0x1, v0;
	v14 =	vld [tilespmem:s14+$0x50];
	v7 =	vadd.s32 v46, v7;
	vm10 =	vgt.f32 v9, v2  }
0x8e: {  	v15 =	vld [tilespmem:s14+$0x60];
	v7 =	vadd.s32 v47, v7;
	vm9 =	vgt.f32 v10, v2;
	v48 =	vsel vm10, $0x1, v0  }
0x8f: {  	v16 =	vld [tilespmem:s14+$0x70];
	vm8 =	vgt.f32 v11, v2;
	v49 =	vsel vm9, $0x1, v0;
	v7 =	vadd.s32 v48, v7  }
0x90: {  	vm7 =	vgt.f32 v12, v2;
	v50 =	vsel vm8, $0x1, v0;
	v7 =	vadd.s32 v49, v7  }
0x91: {  	vm6 =	vgt.f32 v13, v2;
	v51 =	vsel vm7, $0x1, v0;
	v7 =	vadd.s32 v50, v7  }
0x92: {  	vm5 =	vgt.f32 v14, v2;
	v52 =	vsel vm6, $0x1, v0;
	v7 =	vadd.s32 v51, v7  }
0x93: {  	vm14 =	vgt.f32 v15, v2;
	v53 =	vsel vm5, $0x1, v0;
	v7 =	vadd.s32 v52, v7  }
0x94: {  	vm15 =	vgt.f32 v16, v2;
	v54 =	vsel vm14, $0x1, v0;
	v7 =	vadd.s32 v53, v7  }
0x95: {  	v55 =	vsel vm15, $0x1, v0;
	v7 =	vadd.s32 v54, v7  }
0x96: {  	v7 =	vadd.s32 v55, v7  }
0x97: {  	(v2sf) =	vpush v7, $0x0  }
0x98: {  	(v2sf) =	vpush v7, $0x1  }
0x99: {  	(v2sf) =	vpush v7, $0x2  }
0x9a: {  	(v2sf) =	vpush v7, $0x3  }
0x9b: {  	(v2sf) =	vpush v7, $0x4  }
0x9c: {  	(v2sf) =	vpush v7, $0x5  }
0x9d: {  	(v2sf) =	vpush v7, $0x6  }
0x9e: {  	(v2sf) =	vpush v7, $0x7  }
0x9f: {  	(v2sf) =	vpush v7, $0x8  }
0xa0: {  	(v2sf) =	vpush v7, $0x9  }
0xa1: {  	(v2sf) =	vpush v7, $0xA  }
0xa2: {  	(v2sf) =	vpush v7, $0xB  }
0xa3: {  	(v2sf) =	vpush v7, $0xC  }
0xa4: {  	(v2sf) =	vpush v7, $0xD  }
0xa5: {  	(v2sf) =	vpush v7, $0xE  }
0xa6: {  	(v2sf) =	vpush v7, $0xF;
	s13 =	spop (v2sf)  }
0xa7: {  	v5 =	vnsel vm2, $0x0, v5;
	s16 =	spop (v2sf)  }
0xa8: {  	v5 =	vadd.f32 v5, v6;
	s13 =	sadd.s32 s16, s13;
	s17 =	spop (v2sf)  }
0xa9: {  	v4 =	vnsel vm1, $0x0, v4;
	s13 =	sadd.s32 s17, s13;
	s18 =	spop (v2sf)  }
0xaa: {  	v4 =	vadd.f32 v4, v5;
	s13 =	sadd.s32 s18, s13;
	s19 =	spop (v2sf)  }
0xab: {  	v3 =	vnsel vm0, $0x0, v3;
	s13 =	sadd.s32 s19, s13;
	s20 =	spop (v2sf)  }
0xac: {  	v3 =	vadd.f32 v3, v4;
	s13 =	sadd.s32 s20, s13;
	s21 =	spop (v2sf)  }
0xad: {  	v56 =	vnsel vm10, $0x0, v9;
	s13 =	sadd.s32 s21, s13;
	s22 =	spop (v2sf)  }
0xae: {  	v3 =	vadd.f32 v56, v3;
	s13 =	sadd.s32 s22, s13;
	s23 =	spop (v2sf)  }
0xaf: {  	v57 =	vnsel vm9, $0x0, v10;
	s13 =	sadd.s32 s23, s13;
	s24 =	spop (v2sf)  }
0xb0: {  	v3 =	vadd.f32 v57, v3;
	s13 =	sadd.s32 s24, s13;
	s25 =	spop (v2sf)  }
0xb1: {  	v58 =	vnsel vm8, $0x0, v11;
	s13 =	sadd.s32 s25, s13;
	s26 =	spop (v2sf)  }
0xb2: {  	v3 =	vadd.f32 v58, v3;
	s13 =	sadd.s32 s26, s13;
	s28 =	spop (v2sf)  }
0xb3: {  	v59 =	vnsel vm7, $0x0, v12;
	s13 =	sadd.s32 s28, s13;
	s29 =	spop (v2sf)  }
0xb4: {  	v3 =	vadd.f32 v59, v3;
	s13 =	sadd.s32 s29, s13;
	s30 =	spop (v2sf)  }
0xb5: {  	v60 =	vnsel vm6, $0x0, v13;
	s13 =	sadd.s32 s30, s13;
	s31 =	spop (v2sf)  }
0xb6: {  	v3 =	vadd.f32 v60, v3;
	s13 =	sadd.s32 s31, s13  }
0xb7: {  	v61 =	vnsel vm5, $0x0, v14;
	s13 =	scvt.s32.f32 s13  }
0xb8: {  	v3 =	vadd.f32 v61, v3  }
0xb9: {  	v62 =	vnsel vm14, $0x0, v15;
	s13 =	ssub.f32 $2.458000000e+03, s13  }
0xba: {  	s12 =	sadd.s32 $0x1, s12;
	v3 =	vadd.f32 v62, v3  }
0xbb: {  	p0 =	sne.s32 s12, $0x14;
	v63 =	vnsel vm15, $0x0, v16;
	s13 =	smul.f32 $6.250000000e-02, s13  }
.Ltmp6:
0xbc: {  	v3 =	vadd.f32 v63, v3;
	(pc) =	sbr.rel @p0 .LBB2_2-.Ltmp6, $3  }
0xbd: {  	_ = 	snop  }
0xbe: {  	v1 =	vadd.f32 v3, v1;
	v2 =	vmul.f32 s13, v2;
	_ =	sdelay $0x1  }
0xbf: {  	v1 =	vadd.f32 v2, v1  }
0xc0: {  	s11 =	sadd.s32 $0x1, s11  }
0xc1: {  	p0 =	sne.s32 s11, s6  }
.Ltmp7:
0xc2: {  	[tilespmem:$0x2000] =	vst v1;
	(pc) =	sbr.rel @p0 .LBB2_1-.Ltmp7, $4  }
0xc3: {  	[hbm4b:s5+s3] =	stream.linear.scatter [tilespmem:s10], [sflag:$0x1], $0x80, $0x38;
	[tilespmem:$0x2080] =	vst v63  }
0xc4: {  	_ =	swait.ge [sflag:s9], $0x80  }
0xc5: {  	[sflag:s9] =	ssyncset.done $0x0  }
0xc6: {  	[sflag:s9] =	ssyncadd.s32 $0xFFFFFF80  }
0xc7: {  	_ =	sfence.sel $0x180000  }
0xc8: {  	[bflag:$0x0] =	sbarrier.arrive $0xFFFF  }
0xc9: {  	p0 =	sne.s32 s0, $0x0;
	_ =	strace $0x90000047  }
0xca: {  	s0 =	sadd.s32 @!p0 $0x100000, s1;
	[bflag:$0x2] =	sbarrier.arrive $0xFFFF  }
0xcb: {  	[sflag:s0] =	ssyncadd.tile.s32 @!p0 $0x1;
	_ =	shalt  }
.Lfunc_end2:
_tile_overlayer_lowered:
.L_overlay_start_2:
0xcc: {  	(tag) =	ssettag $0x2  }
0xcd: {  	s0 =	rddreg [dreg:$0x0];
	s2 =	stileid.u32  }
0xce: {  	s1 =	rddreg [dreg:$0x1];
	p0 =	sne.s32 s2, $0x0  }
0xcf: {  	s3 =	rddreg [dreg:$0x2];
	[bflag:$0x3] =	sbarrier.arrive $0xFFFF;
	s2 =	simm.s32 @!p0 $0x1C01  }
0xd0: {  	[timem:s3], [sflag:s2] =	dma.local @!p0 [hbm:s0], s1  }
0xd1: {  	s0 =	simm.s32 @!p0 $0x1  }
0xd2: {  	_ =	swait.ge @!p0 [sflag:s0], s1  }
0xd3: {  	s1 =	ssub.s32 @!p0 $0x0, s1;
	[sflag:s0] =	ssyncset.done @!p0 $0x0  }
0xd4: {  	[sflag:s0] =	ssyncadd.s32 @!p0 s1  }
0xd5: {  	[bflag:$0x3] =	sbarrier.arrive $0xFFFF  }
0xd6: {  	_ =	shalt  }

</sc_bundles>
